<compile_context>
chip_gen: v7x
topology: tpu7x:2x2x1
jax: 0.10.2.dev20260603
libtpu: 0.0.44.dev20260713+nightly
codegen_flags: <defaults>
</compile_context>

<pallas_src>
import functools

import jax
import jax.numpy as jnp
from jax import lax
from jax.experimental import pallas as pl
from jax.experimental.pallas import tpu as pltpu
from jax.experimental.pallas import tpu_sc as plsc

IN_SIZE = 16384
OUT_SIZE = 16384
CONN = 32
BATCH = 64

NC = 2
NS = 16
NW = NC * NS
LANES = 16
BAND = OUT_SIZE // NW
CHUNK = 128
GROUPS = BATCH // LANES
UNROLL = 4


def _sc_spmm(xt, vals_p, rows_p, cols_p, vals_t, rows_t, cols_t, *,
             n_chunks, d_slack, start_cap, spec_cap, tail0):
  mesh = plsc.VectorSubcoreMesh(
      core_axis_name="c", subcore_axis_name="s", num_cores=NC, num_subcores=NS)

  @functools.partial(
      pl.kernel,
      out_type=jax.ShapeDtypeStruct((OUT_SIZE * BATCH,), jnp.float32),
      mesh=mesh,
      compiler_params=pltpu.CompilerParams(
          needs_layout_passes=False, use_tc_tiling_on_sc=False),
      scratch_types=[
          pltpu.VMEM((2, CHUNK), jnp.int32),
          pltpu.VMEM((2, CHUNK), jnp.int32),
          pltpu.VMEM((2, CHUNK), jnp.float32),
          pltpu.VMEM((CHUNK + LANES,), jnp.int32),
          pltpu.VMEM((CHUNK + LANES,), jnp.float32),
          pltpu.VMEM((2, CHUNK, BATCH), jnp.bfloat16),
          pltpu.VMEM((BAND * BATCH,), jnp.float32),
          pltpu.SemaphoreType.DMA,
          pltpu.SemaphoreType.DMA,
          pltpu.SemaphoreType.DMA,
          pltpu.SemaphoreType.DMA,
      ],
  )
  def kern(xt_hbm, vals_hbm, rows_hbm, cols_hbm,
           vals_t_hbm, rows_t_hbm, cols_t_hbm, out_hbm,
           cidx, ridx, vraw, lrow, vv, gath, acc,
           lsem0, lsem1, gsem0, gsem1):
    w = lax.axis_index("c") * NS + lax.axis_index("s")
    r0 = w * BAND
    ent0 = w * (BAND * CONN)
    start = jnp.maximum(jnp.int32(0),
                        jnp.minimum(ent0 - jnp.int32(d_slack),
                                    jnp.int32(start_cap)))
    start = pl.multiple_of((start >> 3) << 3, 8)

    iota1 = lax.iota(jnp.int32, LANES)
    iota2 = iota1 * 2
    zeros = jnp.zeros((LANES,), jnp.float32)
    acc_g = [acc.at[pl.ds(off, BAND * BATCH - off)] for off in (0, 32)]
    lsems = (lsem0, lsem1)
    gsems = (gsem0, gsem1)

    def fire_lin(i, b):
      off = jnp.minimum(start + i * CHUNK, jnp.int32(spec_cap))
      off = pl.multiple_of(off, 8)
      sem = lsems[b]
      pltpu.async_copy(cols_hbm.at[pl.ds(off, CHUNK)], cidx.at[b], sem)
      pltpu.async_copy(rows_hbm.at[pl.ds(off, CHUNK)], ridx.at[b], sem)
      pltpu.async_copy(vals_hbm.at[pl.ds(off, CHUNK)], vraw.at[b], sem)

    def wait_lin(b):
      sem = lsems[b]
      pltpu.make_async_copy(cols_hbm.at[pl.ds(0, CHUNK)], cidx.at[b], sem).wait()
      pltpu.make_async_copy(rows_hbm.at[pl.ds(0, CHUNK)], ridx.at[b], sem).wait()
      pltpu.make_async_copy(vals_hbm.at[pl.ds(0, CHUNK)], vraw.at[b], sem).wait()

    def fire_gat(b):
      pltpu.async_copy(xt_hbm.at[cidx.at[b]], gath.at[b], gsems[b])

    def wait_gat(b):
      pltpu.make_async_copy(xt_hbm.at[cidx.at[b]], gath.at[b], gsems[b]).wait()

    def zbody(k, _):
      acc[pl.ds(k * LANES, LANES)] = zeros
      return _
    lax.fori_loop(0, (BAND * BATCH) // LANES, zbody, None)

    fire_lin(0, 0)
    fire_lin(1, 1)
    wait_lin(0)
    fire_gat(0)

    def prepass(b, extra_ok):
      for j in range(CHUNK // LANES):
        sl = pl.ds(j * LANES, LANES)
        lr = ridx[b, sl] - r0
        ok = (lr >= 0) & (lr < BAND)
        if extra_ok is not None:
          ok = ok & extra_ok(j)
        lrow[sl] = jnp.where(ok, lr, 0) * BATCH
        vv[sl] = jnp.where(ok, vraw[b, sl], 0.0)

    def mac(b):
      @plsc.parallel_loop(0, CHUNK, unroll=1)
      def mac_body(j):
        lr16 = lrow[pl.ds(j, LANES)]
        vv16 = vv[pl.ds(j, LANES)]
        idxe = jnp.full((LANES,), lr16[0], jnp.int32) + iota2
        idxo = idxe + 1
        vsp = jnp.full((LANES,), vv16[0], jnp.float32)
        for h in range(2):
          pk = gath[b, j, pl.ds(h * 2 * LANES, 2 * LANES)]
          v32 = plsc.bitcast(pk, jnp.int32)
          fe = plsc.bitcast(v32 << 16, jnp.float32)
          fo = plsc.bitcast(v32 & jnp.int32(-65536), jnp.float32)
          plsc.addupdate_scatter(acc_g[h], [idxe], vsp * fe)
          plsc.addupdate_scatter(acc_g[h], [idxo], vsp * fo)

    def pair_body(ip, _):
      for sub in range(2):
        i = ip * 2 + sub
        b = sub
        nb = 1 - sub
        wait_lin(nb)
        fire_gat(nb)
        wait_gat(b)
        prepass(b, None)
        fire_lin(i + 2, b)
        mac(b)
      return _

    lax.fori_loop(0, n_chunks // 2, pair_body, None)

    wait_gat(0)
    wait_lin(1)

    e_lim = start + jnp.int32(n_chunks * CHUNK)
    pltpu.sync_copy(cols_t_hbm, cidx.at[0])
    pltpu.sync_copy(rows_t_hbm, ridx.at[0])
    pltpu.sync_copy(vals_t_hbm, vraw.at[0])
    fire_gat(0)
    wait_gat(0)
    prepass(0, lambda j: (jnp.int32(tail0 + j * LANES) + iota1) >= e_lim)
    mac(0)

    pltpu.sync_copy(acc, out_hbm.at[pl.ds(r0 * BATCH, BAND * BATCH)])

  return kern(xt, vals_p, rows_p, cols_p, vals_t, rows_t, cols_t)


def kernel(x, values, rows, cols):
  nnz = values.shape[0]
  d = OUT_SIZE * CONN - nnz
  pad_ch = max(CHUNK, -(-(d + 16) // CHUNK) * CHUNK)
  n_chunks = (BAND * CONN + pad_ch) // CHUNK
  if n_chunks % 2:
    n_chunks += 1
  window = n_chunks * CHUNK
  start_cap = (nnz - window) & ~7
  spec_cap = (nnz - CHUNK) & ~7
  tail0 = nnz - CHUNK
  assert start_cap >= 0 and tail0 >= 0

  xt = x.T.astype(jnp.bfloat16)
  vals_f = values.astype(jnp.float32)
  rows_i = rows.astype(jnp.int32)
  cols_i = cols.astype(jnp.int32)
  flat = _sc_spmm(xt, vals_f, rows_i, cols_i,
                  vals_f[tail0:], rows_i[tail0:], cols_i[tail0:],
                  n_chunks=n_chunks, d_slack=d,
                  start_cap=start_cap, spec_cap=spec_cap, tail0=tail0)
  return flat.reshape(OUT_SIZE, BATCH).T

# --- scband reference (transcript-rebuilt; emitter-appended) ---
"""Pipeline reference for scband-sparse-linear-75067438399649 (READ-ONLY COPY).

The authoritative reference and input builder live on the scoring server;
editing this copy changes nothing except your own understanding.
"""

import jax, jax.numpy as jnp
import numpy as np

IN_SIZE = 16384
OUT_SIZE = 16384
CONNECTIVITY = 32
BATCH = 64


def setup_inputs(seed: int = 0) -> dict:
    rng = np.random.default_rng(0)
    # replicate SparseLinear.__init__ (uniform distribution)
    indices_out = np.tile(np.arange(OUT_SIZE, dtype=np.int64), CONNECTIVITY)
    indices_in = (rng.permutation(OUT_SIZE * CONNECTIVITY).astype(np.int64)) % IN_SIZE
    # coalesce duplicate (row, col) pairs (op='add'); values are re-initialized after
    lin = indices_out * IN_SIZE + indices_in
    uniq = np.unique(lin)
    rows = (uniq // IN_SIZE).astype(np.int64)
    cols = (uniq % IN_SIZE).astype(np.int64)
    nnz = uniq.shape[0]
    # values = (rand_like - 0.5) * 2 * sqrt(3 / (len(values) / out_size))
    values = ((rng.random(nnz).astype(np.float32) - 0.5) * 2.0
              * np.sqrt(3.0 / (nnz / OUT_SIZE))).astype(np.float32)
    key = jax.random.key(seed)
    x = jax.random.normal(key, (BATCH, IN_SIZE), dtype=jnp.float32)
    return {
        "x": x,
        "values": jnp.asarray(values),
        "rows": jnp.asarray(rows),
        "cols": jnp.asarray(cols),
    }


def reference(x, values, rows, cols):
    # spmm(indices, values, out_size, in_size, x.t()).t()
    # sparse W [out_size, in_size] @ x.T [in_size, batch] -> [out_size, batch], then .T
    gathered = jnp.take(x, cols, axis=1).T            # [nnz, batch]
    contrib = values[:, None] * gathered              # [nnz, batch]
    out_t = jax.ops.segment_sum(contrib, rows, num_segments=OUT_SIZE)  # [out_size, batch]
    return out_t.T                                    # [batch, out_size]

if __name__ == "__main__":
    import jax
    _d = setup_inputs()
    print(jax.jit(kernel)(*tuple(_d.values())))

</pallas_src>

<mosaic_0001>
#map = affine_map<(d0, d1) -> (0, 0)>
#map1 = affine_map<(d0, d1) -> (0)>
module attributes {stable_mosaic.version = 14 : i64} {
  func.func @kern(%arg0: i32, %arg1: i32, %arg2: memref<16384x64xbf16, #tpu.memory_space<hbm>>, %arg3: memref<523823xf32, #tpu.memory_space<hbm>>, %arg4: memref<523823xi32, #tpu.memory_space<hbm>>, %arg5: memref<523823xi32, #tpu.memory_space<hbm>>, %arg6: memref<128xf32, #tpu.memory_space<hbm>>, %arg7: memref<128xi32, #tpu.memory_space<hbm>>, %arg8: memref<128xi32, #tpu.memory_space<hbm>>, %arg9: memref<1048576xf32, #tpu.memory_space<hbm>>, %arg10: memref<2x128xi32, #tpu.memory_space<vmem>>, %arg11: memref<2x128xi32, #tpu.memory_space<vmem>>, %arg12: memref<2x128xf32, #tpu.memory_space<vmem>>, %arg13: memref<144xi32, #tpu.memory_space<vmem>>, %arg14: memref<144xf32, #tpu.memory_space<vmem>>, %arg15: memref<2x128x64xbf16, #tpu.memory_space<vmem>>, %arg16: memref<32768xf32, #tpu.memory_space<vmem>>, %arg17: memref<!tpu.dma_semaphore, #tpu.memory_space<semaphore_mem>>, %arg18: memref<!tpu.dma_semaphore, #tpu.memory_space<semaphore_mem>>, %arg19: memref<!tpu.dma_semaphore, #tpu.memory_space<semaphore_mem>>, %arg20: memref<!tpu.dma_semaphore, #tpu.memory_space<semaphore_mem>>) attributes {dimension_semantics = [#tpu.dimension_semantics<core_parallel>, #tpu.dimension_semantics<subcore_parallel>], iteration_bounds = array<i64: 2, 16>, scalar_prefetch = 0 : i64, scratch_operands = 11 : i64, tpu.core_type = #tpu.core_type<sc_vector_subcore>, window_params = [{transform_indices = #map}, {transform_indices = #map1}, {transform_indices = #map1}, {transform_indices = #map1}, {transform_indices = #map1}, {transform_indices = #map1}, {transform_indices = #map1}, {transform_indices = #map1}]} {
    %mul3A = arith.constant 16 : i32
    %mul3A_0 = arith.muli %arg0, %mul3A : i32
    %add3A = arith.addi %mul3A_0, %arg1 : i32
    %mul3A_1 = arith.constant 512 : i32
    %mul3A_2 = arith.muli %add3A, %mul3A_1 : i32
    %mul3A_3 = arith.constant 16384 : i32
    %mul3A_4 = arith.muli %add3A, %mul3A_3 : i32
    %sub3A = arith.constant 465 : i32
    %sub3A_5 = arith.subi %mul3A_4, %sub3A : i32
    %min3A = arith.constant 506920 : i32
    %min3A_6 = arith.minsi %sub3A_5, %min3A : i32
    %max3A = arith.constant 0 : i32
    %max3A_7 = arith.maxsi %max3A, %min3A_6 : i32
    %shift_right_arithmetic3A = arith.constant 3 : i32
    %shift_right_arithmetic3A_8 = arith.shrsi %max3A_7, %shift_right_arithmetic3A : i32
    %shift_left3A = arith.constant 3 : i32
    %shift_left3A_9 = arith.shli %shift_right_arithmetic3A_8, %shift_left3A : i32
    %multiple_of3A = tpu.assume_multiple %shift_left3A_9, 8 : i32
    %iota3A = tpu.iota {dimensions = array<i32: 0>} : vector<16xi32>
    %mul3A_10 = arith.constant 2 : i32
    %mul3A_11 = vector.broadcast %mul3A_10 : i32 to vector<16xi32>
    %mul3A_12 = arith.muli %iota3A, %mul3A_11 : vector<16xi32>
    %broadcast_in_dim3A = arith.constant 0.000000e+00 : f32
    %broadcast_in_dim3A_13 = vector.broadcast %broadcast_in_dim3A : f32 to vector<16xf32>
    %scan3A = arith.constant 0 : i32
    %scan3A_14 = arith.constant 2048 : i32
    %scan3A_15 = arith.addi %scan3A, %scan3A_14 : i32
    %scan3A_16 = arith.constant 1 : i32
    scf.for %scan3A_488 = %scan3A to %scan3A_15 step %scan3A_16  : i32 {
      %mul3A_489 = arith.constant 16 : i32
      %mul3A_490 = arith.muli %scan3A_488, %mul3A_489 : i32
      %swap3A_491 = arith.index_cast %mul3A_490 : i32 to index
      %swap3A_492 = tpu.vector_load %arg16[%swap3A_491] {strides = array<i32>} : memref<32768xf32, #tpu.memory_space<vmem>>, vector<16xf32>,
      tpu.vector_store %arg16[%swap3A_491], %broadcast_in_dim3A_13 {strides = array<i32>} : memref<32768xf32, #tpu.memory_space<vmem>>, vector<16xf32>,
    }
    %scan3A_17 = arith.constant 2048 : i32
    %add3A_18 = arith.constant 0 : i32
    %add3A_19 = arith.addi %multiple_of3A, %add3A_18 : i32
    %min3A_20 = arith.constant 523688 : i32
    %min3A_21 = arith.minsi %add3A_19, %min3A_20 : i32
    %multiple_of3A_22 = tpu.assume_multiple %min3A_21, 8 : i32
    %dma_start3A = arith.constant 0 : i32
    %dma_start3A_23 = arith.constant 0 : i32
    %dma_start3A_24 = tpu.memref_slice %arg10[%dma_start3A, %dma_start3A_23] : memref<2x128xi32, #tpu.memory_space<vmem>> -> memref<1x128xi32, #tpu.memory_space<vmem>>
    %dma_start3A_25 = tpu.memref_squeeze %dma_start3A_24 : memref<1x128xi32, #tpu.memory_space<vmem>> -> memref<128xi32, #tpu.memory_space<vmem>>
    %dma_start3A_26 = tpu.memref_slice %arg5[%multiple_of3A_22] : memref<523823xi32, #tpu.memory_space<hbm>> -> memref<128xi32, #tpu.memory_space<hbm>>
    %dma_start3A_27 = arith.constant 0 : i32
    %dma_start3A_28 = tpu.memref_slice %arg10[%dma_start3A, %dma_start3A_27] : memref<2x128xi32, #tpu.memory_space<vmem>> -> memref<1x128xi32, #tpu.memory_space<vmem>>
    %dma_start3A_29 = tpu.memref_squeeze %dma_start3A_28 : memref<1x128xi32, #tpu.memory_space<vmem>> -> memref<128xi32, #tpu.memory_space<vmem>>
    %dma_start3A_30 = tpu.memref_slice %arg5[%multiple_of3A_22] : memref<523823xi32, #tpu.memory_space<hbm>> -> memref<128xi32, #tpu.memory_space<hbm>>
    tpu.enqueue_dma source(%dma_start3A_30 : memref<128xi32, #tpu.memory_space<hbm>>) target(%dma_start3A_29 : memref<128xi32, #tpu.memory_space<vmem>>) target_semaphore(%arg17 : memref<!tpu.dma_semaphore, #tpu.memory_space<semaphore_mem>>)
    %dma_start3A_31 = arith.constant 0 : i32
    %dma_start3A_32 = arith.constant 0 : i32
    %dma_start3A_33 = tpu.memref_slice %arg11[%dma_start3A_31, %dma_start3A_32] : memref<2x128xi32, #tpu.memory_space<vmem>> -> memref<1x128xi32, #tpu.memory_space<vmem>>
    %dma_start3A_34 = tpu.memref_squeeze %dma_start3A_33 : memref<1x128xi32, #tpu.memory_space<vmem>> -> memref<128xi32, #tpu.memory_space<vmem>>
    %dma_start3A_35 = tpu.memref_slice %arg4[%multiple_of3A_22] : memref<523823xi32, #tpu.memory_space<hbm>> -> memref<128xi32, #tpu.memory_space<hbm>>
    %dma_start3A_36 = arith.constant 0 : i32
    %dma_start3A_37 = tpu.memref_slice %arg11[%dma_start3A_31, %dma_start3A_36] : memref<2x128xi32, #tpu.memory_space<vmem>> -> memref<1x128xi32, #tpu.memory_space<vmem>>
    %dma_start3A_38 = tpu.memref_squeeze %dma_start3A_37 : memref<1x128xi32, #tpu.memory_space<vmem>> -> memref<128xi32, #tpu.memory_space<vmem>>
    %dma_start3A_39 = tpu.memref_slice %arg4[%multiple_of3A_22] : memref<523823xi32, #tpu.memory_space<hbm>> -> memref<128xi32, #tpu.memory_space<hbm>>
    tpu.enqueue_dma source(%dma_start3A_39 : memref<128xi32, #tpu.memory_space<hbm>>) target(%dma_start3A_38 : memref<128xi32, #tpu.memory_space<vmem>>) target_semaphore(%arg17 : memref<!tpu.dma_semaphore, #tpu.memory_space<semaphore_mem>>)
    %dma_start3A_40 = arith.constant 0 : i32
    %dma_start3A_41 = arith.constant 0 : i32
    %dma_start3A_42 = tpu.memref_slice %arg12[%dma_start3A_40, %dma_start3A_41] : memref<2x128xf32, #tpu.memory_space<vmem>> -> memref<1x128xf32, #tpu.memory_space<vmem>>
    %dma_start3A_43 = tpu.memref_squeeze %dma_start3A_42 : memref<1x128xf32, #tpu.memory_space<vmem>> -> memref<128xf32, #tpu.memory_space<vmem>>
    %dma_start3A_44 = tpu.memref_slice %arg3[%multiple_of3A_22] : memref<523823xf32, #tpu.memory_space<hbm>> -> memref<128xf32, #tpu.memory_space<hbm>>
    %dma_start3A_45 = arith.constant 0 : i32
    %dma_start3A_46 = tpu.memref_slice %arg12[%dma_start3A_40, %dma_start3A_45] : memref<2x128xf32, #tpu.memory_space<vmem>> -> memref<1x128xf32, #tpu.memory_space<vmem>>
    %dma_start3A_47 = tpu.memref_squeeze %dma_start3A_46 : memref<1x128xf32, #tpu.memory_space<vmem>> -> memref<128xf32, #tpu.memory_space<vmem>>
    %dma_start3A_48 = tpu.memref_slice %arg3[%multiple_of3A_22] : memref<523823xf32, #tpu.memory_space<hbm>> -> memref<128xf32, #tpu.memory_space<hbm>>
    tpu.enqueue_dma source(%dma_start3A_48 : memref<128xf32, #tpu.memory_space<hbm>>) target(%dma_start3A_47 : memref<128xf32, #tpu.memory_space<vmem>>) target_semaphore(%arg17 : memref<!tpu.dma_semaphore, #tpu.memory_space<semaphore_mem>>)
    %add3A_49 = arith.constant 128 : i32
    %add3A_50 = arith.addi %multiple_of3A, %add3A_49 : i32
    %min3A_51 = arith.constant 523688 : i32
    %min3A_52 = arith.minsi %add3A_50, %min3A_51 : i32
    %multiple_of3A_53 = tpu.assume_multiple %min3A_52, 8 : i32
    %dma_start3A_54 = arith.constant 1 : i32
    %dma_start3A_55 = arith.constant 0 : i32
    %dma_start3A_56 = tpu.memref_slice %arg10[%dma_start3A_54, %dma_start3A_55] : memref<2x128xi32, #tpu.memory_space<vmem>> -> memref<1x128xi32, #tpu.memory_space<vmem>>
    %dma_start3A_57 = tpu.memref_squeeze %dma_start3A_56 : memref<1x128xi32, #tpu.memory_space<vmem>> -> memref<128xi32, #tpu.memory_space<vmem>>
    %dma_start3A_58 = tpu.memref_slice %arg5[%multiple_of3A_53] : memref<523823xi32, #tpu.memory_space<hbm>> -> memref<128xi32, #tpu.memory_space<hbm>>
    %dma_start3A_59 = arith.constant 0 : i32
    %dma_start3A_60 = tpu.memref_slice %arg10[%dma_start3A_54, %dma_start3A_59] : memref<2x128xi32, #tpu.memory_space<vmem>> -> memref<1x128xi32, #tpu.memory_space<vmem>>
    %dma_start3A_61 = tpu.memref_squeeze %dma_start3A_60 : memref<1x128xi32, #tpu.memory_space<vmem>> -> memref<128xi32, #tpu.memory_space<vmem>>
    %dma_start3A_62 = tpu.memref_slice %arg5[%multiple_of3A_53] : memref<523823xi32, #tpu.memory_space<hbm>> -> memref<128xi32, #tpu.memory_space<hbm>>
    tpu.enqueue_dma source(%dma_start3A_62 : memref<128xi32, #tpu.memory_space<hbm>>) target(%dma_start3A_61 : memref<128xi32, #tpu.memory_space<vmem>>) target_semaphore(%arg18 : memref<!tpu.dma_semaphore, #tpu.memory_space<semaphore_mem>>)
    %dma_start3A_63 = arith.constant 1 : i32
    %dma_start3A_64 = arith.constant 0 : i32
    %dma_start3A_65 = tpu.memref_slice %arg11[%dma_start3A_63, %dma_start3A_64] : memref<2x128xi32, #tpu.memory_space<vmem>> -> memref<1x128xi32, #tpu.memory_space<vmem>>
    %dma_start3A_66 = tpu.memref_squeeze %dma_start3A_65 : memref<1x128xi32, #tpu.memory_space<vmem>> -> memref<128xi32, #tpu.memory_space<vmem>>
    %dma_start3A_67 = tpu.memref_slice %arg4[%multiple_of3A_53] : memref<523823xi32, #tpu.memory_space<hbm>> -> memref<128xi32, #tpu.memory_space<hbm>>
    %dma_start3A_68 = arith.constant 0 : i32
    %dma_start3A_69 = tpu.memref_slice %arg11[%dma_start3A_63, %dma_start3A_68] : memref<2x128xi32, #tpu.memory_space<vmem>> -> memref<1x128xi32, #tpu.memory_space<vmem>>
    %dma_start3A_70 = tpu.memref_squeeze %dma_start3A_69 : memref<1x128xi32, #tpu.memory_space<vmem>> -> memref<128xi32, #tpu.memory_space<vmem>>
    %dma_start3A_71 = tpu.memref_slice %arg4[%multiple_of3A_53] : memref<523823xi32, #tpu.memory_space<hbm>> -> memref<128xi32, #tpu.memory_space<hbm>>
    tpu.enqueue_dma source(%dma_start3A_71 : memref<128xi32, #tpu.memory_space<hbm>>) target(%dma_start3A_70 : memref<128xi32, #tpu.memory_space<vmem>>) target_semaphore(%arg18 : memref<!tpu.dma_semaphore, #tpu.memory_space<semaphore_mem>>)
    %dma_start3A_72 = arith.constant 1 : i32
    %dma_start3A_73 = arith.constant 0 : i32
    %dma_start3A_74 = tpu.memref_slice %arg12[%dma_start3A_72, %dma_start3A_73] : memref<2x128xf32, #tpu.memory_space<vmem>> -> memref<1x128xf32, #tpu.memory_space<vmem>>
    %dma_start3A_75 = tpu.memref_squeeze %dma_start3A_74 : memref<1x128xf32, #tpu.memory_space<vmem>> -> memref<128xf32, #tpu.memory_space<vmem>>
    %dma_start3A_76 = tpu.memref_slice %arg3[%multiple_of3A_53] : memref<523823xf32, #tpu.memory_space<hbm>> -> memref<128xf32, #tpu.memory_space<hbm>>
    %dma_start3A_77 = arith.constant 0 : i32
    %dma_start3A_78 = tpu.memref_slice %arg12[%dma_start3A_72, %dma_start3A_77] : memref<2x128xf32, #tpu.memory_space<vmem>> -> memref<1x128xf32, #tpu.memory_space<vmem>>
    %dma_start3A_79 = tpu.memref_squeeze %dma_start3A_78 : memref<1x128xf32, #tpu.memory_space<vmem>> -> memref<128xf32, #tpu.memory_space<vmem>>
    %dma_start3A_80 = tpu.memref_slice %arg3[%multiple_of3A_53] : memref<523823xf32, #tpu.memory_space<hbm>> -> memref<128xf32, #tpu.memory_space<hbm>>
    tpu.enqueue_dma source(%dma_start3A_80 : memref<128xf32, #tpu.memory_space<hbm>>) target(%dma_start3A_79 : memref<128xf32, #tpu.memory_space<vmem>>) target_semaphore(%arg18 : memref<!tpu.dma_semaphore, #tpu.memory_space<semaphore_mem>>)
    %dma_wait3A = arith.constant 0 : i32
    %dma_wait3A_81 = arith.constant 0 : i32
    %dma_wait3A_82 = tpu.memref_slice %arg10[%dma_wait3A, %dma_wait3A_81] : memref<2x128xi32, #tpu.memory_space<vmem>> -> memref<1x128xi32, #tpu.memory_space<vmem>>
    %dma_wait3A_83 = tpu.memref_squeeze %dma_wait3A_82 : memref<1x128xi32, #tpu.memory_space<vmem>> -> memref<128xi32, #tpu.memory_space<vmem>>
    %dma_wait3A_84 = arith.constant 0 : i32
    %dma_wait3A_85 = tpu.memref_slice %arg5[%dma_wait3A_84] : memref<523823xi32, #tpu.memory_space<hbm>> -> memref<128xi32, #tpu.memory_space<hbm>>
    %dma_wait3A_86 = arith.constant 0 : i32
    %dma_wait3A_87 = tpu.memref_slice %arg10[%dma_wait3A, %dma_wait3A_86] : memref<2x128xi32, #tpu.memory_space<vmem>> -> memref<1x128xi32, #tpu.memory_space<vmem>>
    %dma_wait3A_88 = tpu.memref_squeeze %dma_wait3A_87 : memref<1x128xi32, #tpu.memory_space<vmem>> -> memref<128xi32, #tpu.memory_space<vmem>>
    %dma_wait3A_89 = arith.constant 0 : i32
    %dma_wait3A_90 = tpu.memref_slice %arg5[%dma_wait3A_89] : memref<523823xi32, #tpu.memory_space<hbm>> -> memref<128xi32, #tpu.memory_space<hbm>>
    tpu.wait_dma2 semaphore(%arg17 : memref<!tpu.dma_semaphore, #tpu.memory_space<semaphore_mem>>) src(%dma_wait3A_90 : memref<128xi32, #tpu.memory_space<hbm>>) dst(%dma_wait3A_88 : memref<128xi32, #tpu.memory_space<vmem>>)
    %dma_wait3A_91 = arith.constant 0 : i32
    %dma_wait3A_92 = arith.constant 0 : i32
    %dma_wait3A_93 = tpu.memref_slice %arg11[%dma_wait3A_91, %dma_wait3A_92] : memref<2x128xi32, #tpu.memory_space<vmem>> -> memref<1x128xi32, #tpu.memory_space<vmem>>
    %dma_wait3A_94 = tpu.memref_squeeze %dma_wait3A_93 : memref<1x128xi32, #tpu.memory_space<vmem>> -> memref<128xi32, #tpu.memory_space<vmem>>
    %dma_wait3A_95 = arith.constant 0 : i32
    %dma_wait3A_96 = tpu.memref_slice %arg4[%dma_wait3A_95] : memref<523823xi32, #tpu.memory_space<hbm>> -> memref<128xi32, #tpu.memory_space<hbm>>
    %dma_wait3A_97 = arith.constant 0 : i32
    %dma_wait3A_98 = tpu.memref_slice %arg11[%dma_wait3A_91, %dma_wait3A_97] : memref<2x128xi32, #tpu.memory_space<vmem>> -> memref<1x128xi32, #tpu.memory_space<vmem>>
    %dma_wait3A_99 = tpu.memref_squeeze %dma_wait3A_98 : memref<1x128xi32, #tpu.memory_space<vmem>> -> memref<128xi32, #tpu.memory_space<vmem>>
    %dma_wait3A_100 = arith.constant 0 : i32
    %dma_wait3A_101 = tpu.memref_slice %arg4[%dma_wait3A_100] : memref<523823xi32, #tpu.memory_space<hbm>> -> memref<128xi32, #tpu.memory_space<hbm>>
    tpu.wait_dma2 semaphore(%arg17 : memref<!tpu.dma_semaphore, #tpu.memory_space<semaphore_mem>>) src(%dma_wait3A_101 : memref<128xi32, #tpu.memory_space<hbm>>) dst(%dma_wait3A_99 : memref<128xi32, #tpu.memory_space<vmem>>)
    %dma_wait3A_102 = arith.constant 0 : i32
    %dma_wait3A_103 = arith.constant 0 : i32
    %dma_wait3A_104 = tpu.memref_slice %arg12[%dma_wait3A_102, %dma_wait3A_103] : memref<2x128xf32, #tpu.memory_space<vmem>> -> memref<1x128xf32, #tpu.memory_space<vmem>>
    %dma_wait3A_105 = tpu.memref_squeeze %dma_wait3A_104 : memref<1x128xf32, #tpu.memory_space<vmem>> -> memref<128xf32, #tpu.memory_space<vmem>>
    %dma_wait3A_106 = arith.constant 0 : i32
    %dma_wait3A_107 = tpu.memref_slice %arg3[%dma_wait3A_106] : memref<523823xf32, #tpu.memory_space<hbm>> -> memref<128xf32, #tpu.memory_space<hbm>>
    %dma_wait3A_108 = arith.constant 0 : i32
    %dma_wait3A_109 = tpu.memref_slice %arg12[%dma_wait3A_102, %dma_wait3A_108] : memref<2x128xf32, #tpu.memory_space<vmem>> -> memref<1x128xf32, #tpu.memory_space<vmem>>
    %dma_wait3A_110 = tpu.memref_squeeze %dma_wait3A_109 : memref<1x128xf32, #tpu.memory_space<vmem>> -> memref<128xf32, #tpu.memory_space<vmem>>
    %dma_wait3A_111 = arith.constant 0 : i32
    %dma_wait3A_112 = tpu.memref_slice %arg3[%dma_wait3A_111] : memref<523823xf32, #tpu.memory_space<hbm>> -> memref<128xf32, #tpu.memory_space<hbm>>
    tpu.wait_dma2 semaphore(%arg17 : memref<!tpu.dma_semaphore, #tpu.memory_space<semaphore_mem>>) src(%dma_wait3A_112 : memref<128xf32, #tpu.memory_space<hbm>>) dst(%dma_wait3A_110 : memref<128xf32, #tpu.memory_space<vmem>>)
    %dma_start3A_113 = arith.constant 0 : i32
    %dma_start3A_114 = arith.constant 0 : i32
    %dma_start3A_115 = arith.constant 0 : i32
    %dma_start3A_116 = arith.constant 0 : i32
    %dma_start3A_117 = tpu.memref_slice %arg15[%dma_start3A_114, %dma_start3A_115, %dma_start3A_116] : memref<2x128x64xbf16, #tpu.memory_space<vmem>> -> memref<1x128x64xbf16, #tpu.memory_space<vmem>>
    %dma_start3A_118 = tpu.memref_squeeze %dma_start3A_117 : memref<1x128x64xbf16, #tpu.memory_space<vmem>> -> memref<128x64xbf16, #tpu.memory_space<vmem>>
    %dma_start3A_119 = arith.constant 0 : i32
    %dma_start3A_120 = tpu.memref_slice %arg10[%dma_start3A_113, %dma_start3A_119] : memref<2x128xi32, #tpu.memory_space<vmem>> -> memref<1x128xi32, #tpu.memory_space<vmem>>
    %dma_start3A_121 = tpu.memref_squeeze %dma_start3A_120 : memref<1x128xi32, #tpu.memory_space<vmem>> -> memref<128xi32, #tpu.memory_space<vmem>>
    %dma_start3A_122 = arith.constant 0 : i32
    %dma_start3A_123 = arith.constant 0 : i32
    %dma_start3A_124 = tpu.memref_slice %arg2[%dma_start3A_122, %dma_start3A_123] : memref<16384x64xbf16, #tpu.memory_space<hbm>> -> memref<16384x64xbf16, #tpu.memory_space<hbm>>
    tpu.enqueue_indirect_dma source(%dma_start3A_124 : memref<16384x64xbf16, #tpu.memory_space<hbm>>) target(%dma_start3A_118 : memref<128x64xbf16, #tpu.memory_space<vmem>>) offsets(%dma_start3A_121 : memref<128xi32, #tpu.memory_space<vmem>>) semaphore(%arg19 : memref<!tpu.dma_semaphore, #tpu.memory_space<semaphore_mem>>)
    %scan3A_125 = arith.constant 0 : i32
    %scan3A_126 = arith.constant 66 : i32
    %scan3A_127 = arith.addi %scan3A_125, %scan3A_126 : i32
    %scan3A_128 = arith.constant 1 : i32
    scf.for %scan3A_488 = %scan3A_125 to %scan3A_127 step %scan3A_128  : i32 {
      %mul3A_489 = arith.constant 2 : i32
      %mul3A_490 = arith.muli %scan3A_488, %mul3A_489 : i32
      %add3A_491 = arith.constant 0 : i32
      %add3A_492 = arith.addi %mul3A_490, %add3A_491 : i32
      %dma_wait3A_493 = arith.constant 1 : i32
      %dma_wait3A_494 = arith.constant 0 : i32
      %dma_wait3A_495 = tpu.memref_slice %arg10[%dma_wait3A_493, %dma_wait3A_494] : memref<2x128xi32, #tpu.memory_space<vmem>> -> memref<1x128xi32, #tpu.memory_space<vmem>>
      %dma_wait3A_496 = tpu.memref_squeeze %dma_wait3A_495 : memref<1x128xi32, #tpu.memory_space<vmem>> -> memref<128xi32, #tpu.memory_space<vmem>>
      %dma_wait3A_497 = arith.constant 0 : i32
      %dma_wait3A_498 = tpu.memref_slice %arg5[%dma_wait3A_497] : memref<523823xi32, #tpu.memory_space<hbm>> -> memref<128xi32, #tpu.memory_space<hbm>>
      %dma_wait3A_499 = arith.constant 0 : i32
      %dma_wait3A_500 = tpu.memref_slice %arg10[%dma_wait3A_493, %dma_wait3A_499] : memref<2x128xi32, #tpu.memory_space<vmem>> -> memref<1x128xi32, #tpu.memory_space<vmem>>
      %dma_wait3A_501 = tpu.memref_squeeze %dma_wait3A_500 : memref<1x128xi32, #tpu.memory_space<vmem>> -> memref<128xi32, #tpu.memory_space<vmem>>
      %dma_wait3A_502 = arith.constant 0 : i32
      %dma_wait3A_503 = tpu.memref_slice %arg5[%dma_wait3A_502] : memref<523823xi32, #tpu.memory_space<hbm>> -> memref<128xi32, #tpu.memory_space<hbm>>
      tpu.wait_dma2 semaphore(%arg18 : memref<!tpu.dma_semaphore, #tpu.memory_space<semaphore_mem>>) src(%dma_wait3A_503 : memref<128xi32, #tpu.memory_space<hbm>>) dst(%dma_wait3A_501 : memref<128xi32, #tpu.memory_space<vmem>>)
      %dma_wait3A_504 = arith.constant 1 : i32
      %dma_wait3A_505 = arith.constant 0 : i32
      %dma_wait3A_506 = tpu.memref_slice %arg11[%dma_wait3A_504, %dma_wait3A_505] : memref<2x128xi32, #tpu.memory_space<vmem>> -> memref<1x128xi32, #tpu.memory_space<vmem>>
      %dma_wait3A_507 = tpu.memref_squeeze %dma_wait3A_506 : memref<1x128xi32, #tpu.memory_space<vmem>> -> memref<128xi32, #tpu.memory_space<vmem>>
      %dma_wait3A_508 = arith.constant 0 : i32
      %dma_wait3A_509 = tpu.memref_slice %arg4[%dma_wait3A_508] : memref<523823xi32, #tpu.memory_space<hbm>> -> memref<128xi32, #tpu.memory_space<hbm>>
      %dma_wait3A_510 = arith.constant 0 : i32
      %dma_wait3A_511 = tpu.memref_slice %arg11[%dma_wait3A_504, %dma_wait3A_510] : memref<2x128xi32, #tpu.memory_space<vmem>> -> memref<1x128xi32, #tpu.memory_space<vmem>>
      %dma_wait3A_512 = tpu.memref_squeeze %dma_wait3A_511 : memref<1x128xi32, #tpu.memory_space<vmem>> -> memref<128xi32, #tpu.memory_space<vmem>>
      %dma_wait3A_513 = arith.constant 0 : i32
      %dma_wait3A_514 = tpu.memref_slice %arg4[%dma_wait3A_513] : memref<523823xi32, #tpu.memory_space<hbm>> -> memref<128xi32, #tpu.memory_space<hbm>>
      tpu.wait_dma2 semaphore(%arg18 : memref<!tpu.dma_semaphore, #tpu.memory_space<semaphore_mem>>) src(%dma_wait3A_514 : memref<128xi32, #tpu.memory_space<hbm>>) dst(%dma_wait3A_512 : memref<128xi32, #tpu.memory_space<vmem>>)
      %dma_wait3A_515 = arith.constant 1 : i32
      %dma_wait3A_516 = arith.constant 0 : i32
      %dma_wait3A_517 = tpu.memref_slice %arg12[%dma_wait3A_515, %dma_wait3A_516] : memref<2x128xf32, #tpu.memory_space<vmem>> -> memref<1x128xf32, #tpu.memory_space<vmem>>
      %dma_wait3A_518 = tpu.memref_squeeze %dma_wait3A_517 : memref<1x128xf32, #tpu.memory_space<vmem>> -> memref<128xf32, #tpu.memory_space<vmem>>
      %dma_wait3A_519 = arith.constant 0 : i32
      %dma_wait3A_520 = tpu.memref_slice %arg3[%dma_wait3A_519] : memref<523823xf32, #tpu.memory_space<hbm>> -> memref<128xf32, #tpu.memory_space<hbm>>
      %dma_wait3A_521 = arith.constant 0 : i32
      %dma_wait3A_522 = tpu.memref_slice %arg12[%dma_wait3A_515, %dma_wait3A_521] : memref<2x128xf32, #tpu.memory_space<vmem>> -> memref<1x128xf32, #tpu.memory_space<vmem>>
      %dma_wait3A_523 = tpu.memref_squeeze %dma_wait3A_522 : memref<1x128xf32, #tpu.memory_space<vmem>> -> memref<128xf32, #tpu.memory_space<vmem>>
      %dma_wait3A_524 = arith.constant 0 : i32
      %dma_wait3A_525 = tpu.memref_slice %arg3[%dma_wait3A_524] : memref<523823xf32, #tpu.memory_space<hbm>> -> memref<128xf32, #tpu.memory_space<hbm>>
      tpu.wait_dma2 semaphore(%arg18 : memref<!tpu.dma_semaphore, #tpu.memory_space<semaphore_mem>>) src(%dma_wait3A_525 : memref<128xf32, #tpu.memory_space<hbm>>) dst(%dma_wait3A_523 : memref<128xf32, #tpu.memory_space<vmem>>)
      %dma_start3A_526 = arith.constant 1 : i32
      %dma_start3A_527 = arith.constant 1 : i32
      %dma_start3A_528 = arith.constant 0 : i32
      %dma_start3A_529 = arith.constant 0 : i32
      %dma_start3A_530 = tpu.memref_slice %arg15[%dma_start3A_527, %dma_start3A_528, %dma_start3A_529] : memref<2x128x64xbf16, #tpu.memory_space<vmem>> -> memref<1x128x64xbf16, #tpu.memory_space<vmem>>
      %dma_start3A_531 = tpu.memref_squeeze %dma_start3A_530 : memref<1x128x64xbf16, #tpu.memory_space<vmem>> -> memref<128x64xbf16, #tpu.memory_space<vmem>>
      %dma_start3A_532 = arith.constant 0 : i32
      %dma_start3A_533 = tpu.memref_slice %arg10[%dma_start3A_526, %dma_start3A_532] : memref<2x128xi32, #tpu.memory_space<vmem>> -> memref<1x128xi32, #tpu.memory_space<vmem>>
      %dma_start3A_534 = tpu.memref_squeeze %dma_start3A_533 : memref<1x128xi32, #tpu.memory_space<vmem>> -> memref<128xi32, #tpu.memory_space<vmem>>
      %dma_start3A_535 = arith.constant 0 : i32
      %dma_start3A_536 = arith.constant 0 : i32
      %dma_start3A_537 = tpu.memref_slice %arg2[%dma_start3A_535, %dma_start3A_536] : memref<16384x64xbf16, #tpu.memory_space<hbm>> -> memref<16384x64xbf16, #tpu.memory_space<hbm>>
      tpu.enqueue_indirect_dma source(%dma_start3A_537 : memref<16384x64xbf16, #tpu.memory_space<hbm>>) target(%dma_start3A_531 : memref<128x64xbf16, #tpu.memory_space<vmem>>) offsets(%dma_start3A_534 : memref<128xi32, #tpu.memory_space<vmem>>) semaphore(%arg20 : memref<!tpu.dma_semaphore, #tpu.memory_space<semaphore_mem>>)
      %dma_wait3A_538 = arith.constant 0 : i32
      %dma_wait3A_539 = arith.constant 0 : i32
      %dma_wait3A_540 = arith.constant 0 : i32
      %dma_wait3A_541 = arith.constant 0 : i32
      %dma_wait3A_542 = tpu.memref_slice %arg15[%dma_wait3A_539, %dma_wait3A_540, %dma_wait3A_541] : memref<2x128x64xbf16, #tpu.memory_space<vmem>> -> memref<1x128x64xbf16, #tpu.memory_space<vmem>>
      %dma_wait3A_543 = tpu.memref_squeeze %dma_wait3A_542 : memref<1x128x64xbf16, #tpu.memory_space<vmem>> -> memref<128x64xbf16, #tpu.memory_space<vmem>>
      %dma_wait3A_544 = arith.constant 0 : i32
      %dma_wait3A_545 = tpu.memref_slice %arg10[%dma_wait3A_538, %dma_wait3A_544] : memref<2x128xi32, #tpu.memory_space<vmem>> -> memref<1x128xi32, #tpu.memory_space<vmem>>
      %dma_wait3A_546 = tpu.memref_squeeze %dma_wait3A_545 : memref<1x128xi32, #tpu.memory_space<vmem>> -> memref<128xi32, #tpu.memory_space<vmem>>
      %dma_wait3A_547 = arith.constant 0 : i32
      %dma_wait3A_548 = arith.constant 0 : i32
      %dma_wait3A_549 = tpu.memref_slice %arg2[%dma_wait3A_547, %dma_wait3A_548] : memref<16384x64xbf16, #tpu.memory_space<hbm>> -> memref<16384x64xbf16, #tpu.memory_space<hbm>>
      tpu.wait_indirect_dma semaphore(%arg19 : memref<!tpu.dma_semaphore, #tpu.memory_space<semaphore_mem>>) src(%dma_wait3A_549 : memref<16384x64xbf16, #tpu.memory_space<hbm>>) dst(%dma_wait3A_543 : memref<128x64xbf16, #tpu.memory_space<vmem>>)
      %get3A_550 = arith.constant 0 : i32
      %get3A_551 = arith.index_cast %get3A_550 : i32 to index
      %get3A_552 = arith.constant 0 : index
      %get3A_553 = tpu.vector_load %arg11[%get3A_551, %get3A_552] {strides = array<i32>} : memref<2x128xi32, #tpu.memory_space<vmem>>, vector<16xi32>,
      %sub3A_554 = vector.broadcast %mul3A_2 : i32 to vector<16xi32>
      %sub3A_555 = arith.subi %get3A_553, %sub3A_554 : vector<16xi32>
      %ge3A_556 = arith.constant 0 : i32
      %ge3A_557 = vector.broadcast %ge3A_556 : i32 to vector<16xi32>
      %ge3A_558 = arith.cmpi sge, %sub3A_555, %ge3A_557 : vector<16xi32>
      %lt3A_559 = arith.constant 512 : i32
      %lt3A_560 = vector.broadcast %lt3A_559 : i32 to vector<16xi32>
      %lt3A_561 = arith.cmpi slt, %sub3A_555, %lt3A_560 : vector<16xi32>
      %and3A_562 = arith.andi %ge3A_558, %lt3A_561 : vector<16xi1>
      %jit3A_563 = arith.constant 0 : i32
      %broadcast_in_dim3A_564 = vector.broadcast %jit3A_563 : i32 to vector<16xi32>
      %select_n3A_565 = arith.select %and3A_562, %sub3A_555, %broadcast_in_dim3A_564 : vector<16xi1>, vector<16xi32>
      %mul3A_566 = arith.constant 64 : i32
      %mul3A_567 = vector.broadcast %mul3A_566 : i32 to vector<16xi32>
      %mul3A_568 = arith.muli %select_n3A_565, %mul3A_567 : vector<16xi32>
      %swap3A_569 = arith.constant 0 : index
      %swap3A_570 = tpu.vector_load %arg13[%swap3A_569] {strides = array<i32>} : memref<144xi32, #tpu.memory_space<vmem>>, vector<16xi32>,
      tpu.vector_store %arg13[%swap3A_569], %mul3A_568 {strides = array<i32>} : memref<144xi32, #tpu.memory_space<vmem>>, vector<16xi32>,
      %get3A_571 = arith.constant 0 : i32
      %get3A_572 = arith.index_cast %get3A_571 : i32 to index
      %get3A_573 = arith.constant 0 : index
      %get3A_574 = tpu.vector_load %arg12[%get3A_572, %get3A_573] {strides = array<i32>} : memref<2x128xf32, #tpu.memory_space<vmem>>, vector<16xf32>,
      %jit3A_575 = arith.constant 0.000000e+00 : f32
      %broadcast_in_dim3A_576 = vector.broadcast %jit3A_575 : f32 to vector<16xf32>
      %select_n3A_577 = arith.select %and3A_562, %get3A_574, %broadcast_in_dim3A_576 : vector<16xi1>, vector<16xf32>
      %swap3A_578 = arith.constant 0 : index
      %swap3A_579 = tpu.vector_load %arg14[%swap3A_578] {strides = array<i32>} : memref<144xf32, #tpu.memory_space<vmem>>, vector<16xf32>,
      tpu.vector_store %arg14[%swap3A_578], %select_n3A_577 {strides = array<i32>} : memref<144xf32, #tpu.memory_space<vmem>>, vector<16xf32>,
      %get3A_580 = arith.constant 0 : i32
      %get3A_581 = arith.index_cast %get3A_580 : i32 to index
      %get3A_582 = arith.constant 16 : index
      %get3A_583 = tpu.vector_load %arg11[%get3A_581, %get3A_582] {strides = array<i32>} : memref<2x128xi32, #tpu.memory_space<vmem>>, vector<16xi32>,
      %sub3A_584 = vector.broadcast %mul3A_2 : i32 to vector<16xi32>
      %sub3A_585 = arith.subi %get3A_583, %sub3A_584 : vector<16xi32>
      %ge3A_586 = arith.constant 0 : i32
      %ge3A_587 = vector.broadcast %ge3A_586 : i32 to vector<16xi32>
      %ge3A_588 = arith.cmpi sge, %sub3A_585, %ge3A_587 : vector<16xi32>
      %lt3A_589 = arith.constant 512 : i32
      %lt3A_590 = vector.broadcast %lt3A_589 : i32 to vector<16xi32>
      %lt3A_591 = arith.cmpi slt, %sub3A_585, %lt3A_590 : vector<16xi32>
      %and3A_592 = arith.andi %ge3A_588, %lt3A_591 : vector<16xi1>
      %jit3A_593 = arith.constant 0 : i32
      %broadcast_in_dim3A_594 = vector.broadcast %jit3A_593 : i32 to vector<16xi32>
      %select_n3A_595 = arith.select %and3A_592, %sub3A_585, %broadcast_in_dim3A_594 : vector<16xi1>, vector<16xi32>
      %mul3A_596 = arith.constant 64 : i32
      %mul3A_597 = vector.broadcast %mul3A_596 : i32 to vector<16xi32>
      %mul3A_598 = arith.muli %select_n3A_595, %mul3A_597 : vector<16xi32>
      %swap3A_599 = arith.constant 16 : index
      %swap3A_600 = tpu.vector_load %arg13[%swap3A_599] {strides = array<i32>} : memref<144xi32, #tpu.memory_space<vmem>>, vector<16xi32>,
      tpu.vector_store %arg13[%swap3A_599], %mul3A_598 {strides = array<i32>} : memref<144xi32, #tpu.memory_space<vmem>>, vector<16xi32>,
      %get3A_601 = arith.constant 0 : i32
      %get3A_602 = arith.index_cast %get3A_601 : i32 to index
      %get3A_603 = arith.constant 16 : index
      %get3A_604 = tpu.vector_load %arg12[%get3A_602, %get3A_603] {strides = array<i32>} : memref<2x128xf32, #tpu.memory_space<vmem>>, vector<16xf32>,
      %jit3A_605 = arith.constant 0.000000e+00 : f32
      %broadcast_in_dim3A_606 = vector.broadcast %jit3A_605 : f32 to vector<16xf32>
      %select_n3A_607 = arith.select %and3A_592, %get3A_604, %broadcast_in_dim3A_606 : vector<16xi1>, vector<16xf32>
      %swap3A_608 = arith.constant 16 : index
      %swap3A_609 = tpu.vector_load %arg14[%swap3A_608] {strides = array<i32>} : memref<144xf32, #tpu.memory_space<vmem>>, vector<16xf32>,
      tpu.vector_store %arg14[%swap3A_608], %select_n3A_607 {strides = array<i32>} : memref<144xf32, #tpu.memory_space<vmem>>, vector<16xf32>,
      %get3A_610 = arith.constant 0 : i32
      %get3A_611 = arith.index_cast %get3A_610 : i32 to index
      %get3A_612 = arith.constant 32 : index
      %get3A_613 = tpu.vector_load %arg11[%get3A_611, %get3A_612] {strides = array<i32>} : memref<2x128xi32, #tpu.memory_space<vmem>>, vector<16xi32>,
      %sub3A_614 = vector.broadcast %mul3A_2 : i32 to vector<16xi32>
      %sub3A_615 = arith.subi %get3A_613, %sub3A_614 : vector<16xi32>
      %ge3A_616 = arith.constant 0 : i32
      %ge3A_617 = vector.broadcast %ge3A_616 : i32 to vector<16xi32>
      %ge3A_618 = arith.cmpi sge, %sub3A_615, %ge3A_617 : vector<16xi32>
      %lt3A_619 = arith.constant 512 : i32
      %lt3A_620 = vector.broadcast %lt3A_619 : i32 to vector<16xi32>
      %lt3A_621 = arith.cmpi slt, %sub3A_615, %lt3A_620 : vector<16xi32>
      %and3A_622 = arith.andi %ge3A_618, %lt3A_621 : vector<16xi1>
      %jit3A_623 = arith.constant 0 : i32
      %broadcast_in_dim3A_624 = vector.broadcast %jit3A_623 : i32 to vector<16xi32>
      %select_n3A_625 = arith.select %and3A_622, %sub3A_615, %broadcast_in_dim3A_624 : vector<16xi1>, vector<16xi32>
      %mul3A_626 = arith.constant 64 : i32
      %mul3A_627 = vector.broadcast %mul3A_626 : i32 to vector<16xi32>
      %mul3A_628 = arith.muli %select_n3A_625, %mul3A_627 : vector<16xi32>
      %swap3A_629 = arith.constant 32 : index
      %swap3A_630 = tpu.vector_load %arg13[%swap3A_629] {strides = array<i32>} : memref<144xi32, #tpu.memory_space<vmem>>, vector<16xi32>,
      tpu.vector_store %arg13[%swap3A_629], %mul3A_628 {strides = array<i32>} : memref<144xi32, #tpu.memory_space<vmem>>, vector<16xi32>,
      %get3A_631 = arith.constant 0 : i32
      %get3A_632 = arith.index_cast %get3A_631 : i32 to index
      %get3A_633 = arith.constant 32 : index
      %get3A_634 = tpu.vector_load %arg12[%get3A_632, %get3A_633] {strides = array<i32>} : memref<2x128xf32, #tpu.memory_space<vmem>>, vector<16xf32>,
      %jit3A_635 = arith.constant 0.000000e+00 : f32
      %broadcast_in_dim3A_636 = vector.broadcast %jit3A_635 : f32 to vector<16xf32>
      %select_n3A_637 = arith.select %and3A_622, %get3A_634, %broadcast_in_dim3A_636 : vector<16xi1>, vector<16xf32>
      %swap3A_638 = arith.constant 32 : index
      %swap3A_639 = tpu.vector_load %arg14[%swap3A_638] {strides = array<i32>} : memref<144xf32, #tpu.memory_space<vmem>>, vector<16xf32>,
      tpu.vector_store %arg14[%swap3A_638], %select_n3A_637 {strides = array<i32>} : memref<144xf32, #tpu.memory_space<vmem>>, vector<16xf32>,
      %get3A_640 = arith.constant 0 : i32
      %get3A_641 = arith.index_cast %get3A_640 : i32 to index
      %get3A_642 = arith.constant 48 : index
      %get3A_643 = tpu.vector_load %arg11[%get3A_641, %get3A_642] {strides = array<i32>} : memref<2x128xi32, #tpu.memory_space<vmem>>, vector<16xi32>,
      %sub3A_644 = vector.broadcast %mul3A_2 : i32 to vector<16xi32>
      %sub3A_645 = arith.subi %get3A_643, %sub3A_644 : vector<16xi32>
      %ge3A_646 = arith.constant 0 : i32
      %ge3A_647 = vector.broadcast %ge3A_646 : i32 to vector<16xi32>
      %ge3A_648 = arith.cmpi sge, %sub3A_645, %ge3A_647 : vector<16xi32>
      %lt3A_649 = arith.constant 512 : i32
      %lt3A_650 = vector.broadcast %lt3A_649 : i32 to vector<16xi32>
      %lt3A_651 = arith.cmpi slt, %sub3A_645, %lt3A_650 : vector<16xi32>
      %and3A_652 = arith.andi %ge3A_648, %lt3A_651 : vector<16xi1>
      %jit3A_653 = arith.constant 0 : i32
      %broadcast_in_dim3A_654 = vector.broadcast %jit3A_653 : i32 to vector<16xi32>
      %select_n3A_655 = arith.select %and3A_652, %sub3A_645, %broadcast_in_dim3A_654 : vector<16xi1>, vector<16xi32>
      %mul3A_656 = arith.constant 64 : i32
      %mul3A_657 = vector.broadcast %mul3A_656 : i32 to vector<16xi32>
      %mul3A_658 = arith.muli %select_n3A_655, %mul3A_657 : vector<16xi32>
      %swap3A_659 = arith.constant 48 : index
      %swap3A_660 = tpu.vector_load %arg13[%swap3A_659] {strides = array<i32>} : memref<144xi32, #tpu.memory_space<vmem>>, vector<16xi32>,
      tpu.vector_store %arg13[%swap3A_659], %mul3A_658 {strides = array<i32>} : memref<144xi32, #tpu.memory_space<vmem>>, vector<16xi32>,
      %get3A_661 = arith.constant 0 : i32
      %get3A_662 = arith.index_cast %get3A_661 : i32 to index
      %get3A_663 = arith.constant 48 : index
      %get3A_664 = tpu.vector_load %arg12[%get3A_662, %get3A_663] {strides = array<i32>} : memref<2x128xf32, #tpu.memory_space<vmem>>, vector<16xf32>,
      %jit3A_665 = arith.constant 0.000000e+00 : f32
      %broadcast_in_dim3A_666 = vector.broadcast %jit3A_665 : f32 to vector<16xf32>
      %select_n3A_667 = arith.select %and3A_652, %get3A_664, %broadcast_in_dim3A_666 : vector<16xi1>, vector<16xf32>
      %swap3A_668 = arith.constant 48 : index
      %swap3A_669 = tpu.vector_load %arg14[%swap3A_668] {strides = array<i32>} : memref<144xf32, #tpu.memory_space<vmem>>, vector<16xf32>,
      tpu.vector_store %arg14[%swap3A_668], %select_n3A_667 {strides = array<i32>} : memref<144xf32, #tpu.memory_space<vmem>>, vector<16xf32>,
      %get3A_670 = arith.constant 0 : i32
      %get3A_671 = arith.index_cast %get3A_670 : i32 to index
      %get3A_672 = arith.constant 64 : index
      %get3A_673 = tpu.vector_load %arg11[%get3A_671, %get3A_672] {strides = array<i32>} : memref<2x128xi32, #tpu.memory_space<vmem>>, vector<16xi32>,
      %sub3A_674 = vector.broadcast %mul3A_2 : i32 to vector<16xi32>
      %sub3A_675 = arith.subi %get3A_673, %sub3A_674 : vector<16xi32>
      %ge3A_676 = arith.constant 0 : i32
      %ge3A_677 = vector.broadcast %ge3A_676 : i32 to vector<16xi32>
      %ge3A_678 = arith.cmpi sge, %sub3A_675, %ge3A_677 : vector<16xi32>
      %lt3A_679 = arith.constant 512 : i32
      %lt3A_680 = vector.broadcast %lt3A_679 : i32 to vector<16xi32>
      %lt3A_681 = arith.cmpi slt, %sub3A_675, %lt3A_680 : vector<16xi32>
      %and3A_682 = arith.andi %ge3A_678, %lt3A_681 : vector<16xi1>
      %jit3A_683 = arith.constant 0 : i32
      %broadcast_in_dim3A_684 = vector.broadcast %jit3A_683 : i32 to vector<16xi32>
      %select_n3A_685 = arith.select %and3A_682, %sub3A_675, %broadcast_in_dim3A_684 : vector<16xi1>, vector<16xi32>
      %mul3A_686 = arith.constant 64 : i32
      %mul3A_687 = vector.broadcast %mul3A_686 : i32 to vector<16xi32>
      %mul3A_688 = arith.muli %select_n3A_685, %mul3A_687 : vector<16xi32>
      %swap3A_689 = arith.constant 64 : index
      %swap3A_690 = tpu.vector_load %arg13[%swap3A_689] {strides = array<i32>} : memref<144xi32, #tpu.memory_space<vmem>>, vector<16xi32>,
      tpu.vector_store %arg13[%swap3A_689], %mul3A_688 {strides = array<i32>} : memref<144xi32, #tpu.memory_space<vmem>>, vector<16xi32>,
      %get3A_691 = arith.constant 0 : i32
      %get3A_692 = arith.index_cast %get3A_691 : i32 to index
      %get3A_693 = arith.constant 64 : index
      %get3A_694 = tpu.vector_load %arg12[%get3A_692, %get3A_693] {strides = array<i32>} : memref<2x128xf32, #tpu.memory_space<vmem>>, vector<16xf32>,
      %jit3A_695 = arith.constant 0.000000e+00 : f32
      %broadcast_in_dim3A_696 = vector.broadcast %jit3A_695 : f32 to vector<16xf32>
      %select_n3A_697 = arith.select %and3A_682, %get3A_694, %broadcast_in_dim3A_696 : vector<16xi1>, vector<16xf32>
      %swap3A_698 = arith.constant 64 : index
      %swap3A_699 = tpu.vector_load %arg14[%swap3A_698] {strides = array<i32>} : memref<144xf32, #tpu.memory_space<vmem>>, vector<16xf32>,
      tpu.vector_store %arg14[%swap3A_698], %select_n3A_697 {strides = array<i32>} : memref<144xf32, #tpu.memory_space<vmem>>, vector<16xf32>,
      %get3A_700 = arith.constant 0 : i32
      %get3A_701 = arith.index_cast %get3A_700 : i32 to index
      %get3A_702 = arith.constant 80 : index
      %get3A_703 = tpu.vector_load %arg11[%get3A_701, %get3A_702] {strides = array<i32>} : memref<2x128xi32, #tpu.memory_space<vmem>>, vector<16xi32>,
      %sub3A_704 = vector.broadcast %mul3A_2 : i32 to vector<16xi32>
      %sub3A_705 = arith.subi %get3A_703, %sub3A_704 : vector<16xi32>
      %ge3A_706 = arith.constant 0 : i32
      %ge3A_707 = vector.broadcast %ge3A_706 : i32 to vector<16xi32>
      %ge3A_708 = arith.cmpi sge, %sub3A_705, %ge3A_707 : vector<16xi32>
      %lt3A_709 = arith.constant 512 : i32
      %lt3A_710 = vector.broadcast %lt3A_709 : i32 to vector<16xi32>
      %lt3A_711 = arith.cmpi slt, %sub3A_705, %lt3A_710 : vector<16xi32>
      %and3A_712 = arith.andi %ge3A_708, %lt3A_711 : vector<16xi1>
      %jit3A_713 = arith.constant 0 : i32
      %broadcast_in_dim3A_714 = vector.broadcast %jit3A_713 : i32 to vector<16xi32>
      %select_n3A_715 = arith.select %and3A_712, %sub3A_705, %broadcast_in_dim3A_714 : vector<16xi1>, vector<16xi32>
      %mul3A_716 = arith.constant 64 : i32
      %mul3A_717 = vector.broadcast %mul3A_716 : i32 to vector<16xi32>
      %mul3A_718 = arith.muli %select_n3A_715, %mul3A_717 : vector<16xi32>
      %swap3A_719 = arith.constant 80 : index
      %swap3A_720 = tpu.vector_load %arg13[%swap3A_719] {strides = array<i32>} : memref<144xi32, #tpu.memory_space<vmem>>, vector<16xi32>,
      tpu.vector_store %arg13[%swap3A_719], %mul3A_718 {strides = array<i32>} : memref<144xi32, #tpu.memory_space<vmem>>, vector<16xi32>,
      %get3A_721 = arith.constant 0 : i32
      %get3A_722 = arith.index_cast %get3A_721 : i32 to index
      %get3A_723 = arith.constant 80 : index
      %get3A_724 = tpu.vector_load %arg12[%get3A_722, %get3A_723] {strides = array<i32>} : memref<2x128xf32, #tpu.memory_space<vmem>>, vector<16xf32>,
      %jit3A_725 = arith.constant 0.000000e+00 : f32
      %broadcast_in_dim3A_726 = vector.broadcast %jit3A_725 : f32 to vector<16xf32>
      %select_n3A_727 = arith.select %and3A_712, %get3A_724, %broadcast_in_dim3A_726 : vector<16xi1>, vector<16xf32>
      %swap3A_728 = arith.constant 80 : index
      %swap3A_729 = tpu.vector_load %arg14[%swap3A_728] {strides = array<i32>} : memref<144xf32, #tpu.memory_space<vmem>>, vector<16xf32>,
      tpu.vector_store %arg14[%swap3A_728], %select_n3A_727 {strides = array<i32>} : memref<144xf32, #tpu.memory_space<vmem>>, vector<16xf32>,
      %get3A_730 = arith.constant 0 : i32
      %get3A_731 = arith.index_cast %get3A_730 : i32 to index
      %get3A_732 = arith.constant 96 : index
      %get3A_733 = tpu.vector_load %arg11[%get3A_731, %get3A_732] {strides = array<i32>} : memref<2x128xi32, #tpu.memory_space<vmem>>, vector<16xi32>,
      %sub3A_734 = vector.broadcast %mul3A_2 : i32 to vector<16xi32>
      %sub3A_735 = arith.subi %get3A_733, %sub3A_734 : vector<16xi32>
      %ge3A_736 = arith.constant 0 : i32
      %ge3A_737 = vector.broadcast %ge3A_736 : i32 to vector<16xi32>
      %ge3A_738 = arith.cmpi sge, %sub3A_735, %ge3A_737 : vector<16xi32>
      %lt3A_739 = arith.constant 512 : i32
      %lt3A_740 = vector.broadcast %lt3A_739 : i32 to vector<16xi32>
      %lt3A_741 = arith.cmpi slt, %sub3A_735, %lt3A_740 : vector<16xi32>
      %and3A_742 = arith.andi %ge3A_738, %lt3A_741 : vector<16xi1>
      %jit3A_743 = arith.constant 0 : i32
      %broadcast_in_dim3A_744 = vector.broadcast %jit3A_743 : i32 to vector<16xi32>
      %select_n3A_745 = arith.select %and3A_742, %sub3A_735, %broadcast_in_dim3A_744 : vector<16xi1>, vector<16xi32>
      %mul3A_746 = arith.constant 64 : i32
      %mul3A_747 = vector.broadcast %mul3A_746 : i32 to vector<16xi32>
      %mul3A_748 = arith.muli %select_n3A_745, %mul3A_747 : vector<16xi32>
      %swap3A_749 = arith.constant 96 : index
      %swap3A_750 = tpu.vector_load %arg13[%swap3A_749] {strides = array<i32>} : memref<144xi32, #tpu.memory_space<vmem>>, vector<16xi32>,
      tpu.vector_store %arg13[%swap3A_749], %mul3A_748 {strides = array<i32>} : memref<144xi32, #tpu.memory_space<vmem>>, vector<16xi32>,
      %get3A_751 = arith.constant 0 : i32
      %get3A_752 = arith.index_cast %get3A_751 : i32 to index
      %get3A_753 = arith.constant 96 : index
      %get3A_754 = tpu.vector_load %arg12[%get3A_752, %get3A_753] {strides = array<i32>} : memref<2x128xf32, #tpu.memory_space<vmem>>, vector<16xf32>,
      %jit3A_755 = arith.constant 0.000000e+00 : f32
      %broadcast_in_dim3A_756 = vector.broadcast %jit3A_755 : f32 to vector<16xf32>
      %select_n3A_757 = arith.select %and3A_742, %get3A_754, %broadcast_in_dim3A_756 : vector<16xi1>, vector<16xf32>
      %swap3A_758 = arith.constant 96 : index
      %swap3A_759 = tpu.vector_load %arg14[%swap3A_758] {strides = array<i32>} : memref<144xf32, #tpu.memory_space<vmem>>, vector<16xf32>,
      tpu.vector_store %arg14[%swap3A_758], %select_n3A_757 {strides = array<i32>} : memref<144xf32, #tpu.memory_space<vmem>>, vector<16xf32>,
      %get3A_760 = arith.constant 0 : i32
      %get3A_761 = arith.index_cast %get3A_760 : i32 to index
      %get3A_762 = arith.constant 112 : index
      %get3A_763 = tpu.vector_load %arg11[%get3A_761, %get3A_762] {strides = array<i32>} : memref<2x128xi32, #tpu.memory_space<vmem>>, vector<16xi32>,
      %sub3A_764 = vector.broadcast %mul3A_2 : i32 to vector<16xi32>
      %sub3A_765 = arith.subi %get3A_763, %sub3A_764 : vector<16xi32>
      %ge3A_766 = arith.constant 0 : i32
      %ge3A_767 = vector.broadcast %ge3A_766 : i32 to vector<16xi32>
      %ge3A_768 = arith.cmpi sge, %sub3A_765, %ge3A_767 : vector<16xi32>
      %lt3A_769 = arith.constant 512 : i32
      %lt3A_770 = vector.broadcast %lt3A_769 : i32 to vector<16xi32>
      %lt3A_771 = arith.cmpi slt, %sub3A_765, %lt3A_770 : vector<16xi32>
      %and3A_772 = arith.andi %ge3A_768, %lt3A_771 : vector<16xi1>
      %jit3A_773 = arith.constant 0 : i32
      %broadcast_in_dim3A_774 = vector.broadcast %jit3A_773 : i32 to vector<16xi32>
      %select_n3A_775 = arith.select %and3A_772, %sub3A_765, %broadcast_in_dim3A_774 : vector<16xi1>, vector<16xi32>
      %mul3A_776 = arith.constant 64 : i32
      %mul3A_777 = vector.broadcast %mul3A_776 : i32 to vector<16xi32>
      %mul3A_778 = arith.muli %select_n3A_775, %mul3A_777 : vector<16xi32>
      %swap3A_779 = arith.constant 112 : index
      %swap3A_780 = tpu.vector_load %arg13[%swap3A_779] {strides = array<i32>} : memref<144xi32, #tpu.memory_space<vmem>>, vector<16xi32>,
      tpu.vector_store %arg13[%swap3A_779], %mul3A_778 {strides = array<i32>} : memref<144xi32, #tpu.memory_space<vmem>>, vector<16xi32>,
      %get3A_781 = arith.constant 0 : i32
      %get3A_782 = arith.index_cast %get3A_781 : i32 to index
      %get3A_783 = arith.constant 112 : index
      %get3A_784 = tpu.vector_load %arg12[%get3A_782, %get3A_783] {strides = array<i32>} : memref<2x128xf32, #tpu.memory_space<vmem>>, vector<16xf32>,
      %jit3A_785 = arith.constant 0.000000e+00 : f32
      %broadcast_in_dim3A_786 = vector.broadcast %jit3A_785 : f32 to vector<16xf32>
      %select_n3A_787 = arith.select %and3A_772, %get3A_784, %broadcast_in_dim3A_786 : vector<16xi1>, vector<16xf32>
      %swap3A_788 = arith.constant 112 : index
      %swap3A_789 = tpu.vector_load %arg14[%swap3A_788] {strides = array<i32>} : memref<144xf32, #tpu.memory_space<vmem>>, vector<16xf32>,
      tpu.vector_store %arg14[%swap3A_788], %select_n3A_787 {strides = array<i32>} : memref<144xf32, #tpu.memory_space<vmem>>, vector<16xf32>,
      %add3A_790 = arith.constant 2 : i32
      %add3A_791 = arith.addi %add3A_492, %add3A_790 : i32
      %mul3A_792 = arith.constant 128 : i32
      %mul3A_793 = arith.muli %add3A_791, %mul3A_792 : i32
      %add3A_794 = arith.addi %multiple_of3A, %mul3A_793 : i32
      %min3A_795 = arith.constant 523688 : i32
      %min3A_796 = arith.minsi %add3A_794, %min3A_795 : i32
      %multiple_of3A_797 = tpu.assume_multiple %min3A_796, 8 : i32
      %dma_start3A_798 = arith.constant 0 : i32
      %dma_start3A_799 = arith.constant 0 : i32
      %dma_start3A_800 = tpu.memref_slice %arg10[%dma_start3A_798, %dma_start3A_799] : memref<2x128xi32, #tpu.memory_space<vmem>> -> memref<1x128xi32, #tpu.memory_space<vmem>>
      %dma_start3A_801 = tpu.memref_squeeze %dma_start3A_800 : memref<1x128xi32, #tpu.memory_space<vmem>> -> memref<128xi32, #tpu.memory_space<vmem>>
      %dma_start3A_802 = tpu.memref_slice %arg5[%multiple_of3A_797] : memref<523823xi32, #tpu.memory_space<hbm>> -> memref<128xi32, #tpu.memory_space<hbm>>
      %dma_start3A_803 = arith.constant 0 : i32
      %dma_start3A_804 = tpu.memref_slice %arg10[%dma_start3A_798, %dma_start3A_803] : memref<2x128xi32, #tpu.memory_space<vmem>> -> memref<1x128xi32, #tpu.memory_space<vmem>>
      %dma_start3A_805 = tpu.memref_squeeze %dma_start3A_804 : memref<1x128xi32, #tpu.memory_space<vmem>> -> memref<128xi32, #tpu.memory_space<vmem>>
      %dma_start3A_806 = tpu.memref_slice %arg5[%multiple_of3A_797] : memref<523823xi32, #tpu.memory_space<hbm>> -> memref<128xi32, #tpu.memory_space<hbm>>
      tpu.enqueue_dma source(%dma_start3A_806 : memref<128xi32, #tpu.memory_space<hbm>>) target(%dma_start3A_805 : memref<128xi32, #tpu.memory_space<vmem>>) target_semaphore(%arg17 : memref<!tpu.dma_semaphore, #tpu.memory_space<semaphore_mem>>)
      %dma_start3A_807 = arith.constant 0 : i32
      %dma_start3A_808 = arith.constant 0 : i32
      %dma_start3A_809 = tpu.memref_slice %arg11[%dma_start3A_807, %dma_start3A_808] : memref<2x128xi32, #tpu.memory_space<vmem>> -> memref<1x128xi32, #tpu.memory_space<vmem>>
      %dma_start3A_810 = tpu.memref_squeeze %dma_start3A_809 : memref<1x128xi32, #tpu.memory_space<vmem>> -> memref<128xi32, #tpu.memory_space<vmem>>
      %dma_start3A_811 = tpu.memref_slice %arg4[%multiple_of3A_797] : memref<523823xi32, #tpu.memory_space<hbm>> -> memref<128xi32, #tpu.memory_space<hbm>>
      %dma_start3A_812 = arith.constant 0 : i32
      %dma_start3A_813 = tpu.memref_slice %arg11[%dma_start3A_807, %dma_start3A_812] : memref<2x128xi32, #tpu.memory_space<vmem>> -> memref<1x128xi32, #tpu.memory_space<vmem>>
      %dma_start3A_814 = tpu.memref_squeeze %dma_start3A_813 : memref<1x128xi32, #tpu.memory_space<vmem>> -> memref<128xi32, #tpu.memory_space<vmem>>
      %dma_start3A_815 = tpu.memref_slice %arg4[%multiple_of3A_797] : memref<523823xi32, #tpu.memory_space<hbm>> -> memref<128xi32, #tpu.memory_space<hbm>>
      tpu.enqueue_dma source(%dma_start3A_815 : memref<128xi32, #tpu.memory_space<hbm>>) target(%dma_start3A_814 : memref<128xi32, #tpu.memory_space<vmem>>) target_semaphore(%arg17 : memref<!tpu.dma_semaphore, #tpu.memory_space<semaphore_mem>>)
      %dma_start3A_816 = arith.constant 0 : i32
      %dma_start3A_817 = arith.constant 0 : i32
      %dma_start3A_818 = tpu.memref_slice %arg12[%dma_start3A_816, %dma_start3A_817] : memref<2x128xf32, #tpu.memory_space<vmem>> -> memref<1x128xf32, #tpu.memory_space<vmem>>
      %dma_start3A_819 = tpu.memref_squeeze %dma_start3A_818 : memref<1x128xf32, #tpu.memory_space<vmem>> -> memref<128xf32, #tpu.memory_space<vmem>>
      %dma_start3A_820 = tpu.memref_slice %arg3[%multiple_of3A_797] : memref<523823xf32, #tpu.memory_space<hbm>> -> memref<128xf32, #tpu.memory_space<hbm>>
      %dma_start3A_821 = arith.constant 0 : i32
      %dma_start3A_822 = tpu.memref_slice %arg12[%dma_start3A_816, %dma_start3A_821] : memref<2x128xf32, #tpu.memory_space<vmem>> -> memref<1x128xf32, #tpu.memory_space<vmem>>
      %dma_start3A_823 = tpu.memref_squeeze %dma_start3A_822 : memref<1x128xf32, #tpu.memory_space<vmem>> -> memref<128xf32, #tpu.memory_space<vmem>>
      %dma_start3A_824 = tpu.memref_slice %arg3[%multiple_of3A_797] : memref<523823xf32, #tpu.memory_space<hbm>> -> memref<128xf32, #tpu.memory_space<hbm>>
      tpu.enqueue_dma source(%dma_start3A_824 : memref<128xf32, #tpu.memory_space<hbm>>) target(%dma_start3A_823 : memref<128xf32, #tpu.memory_space<vmem>>) target_semaphore(%arg17 : memref<!tpu.dma_semaphore, #tpu.memory_space<semaphore_mem>>)
      %parallel_loop3A_825 = arith.constant 0 : i32
      %parallel_loop3A_826 = arith.constant 128 : i32
      %parallel_loop3A_827 = arith.constant 1 : i32
      scf.for %parallel_loop3A_1167 = %parallel_loop3A_825 to %parallel_loop3A_826 step %parallel_loop3A_827  : i32 {
        %parallel_loop3A_1168 = arith.index_cast %parallel_loop3A_1167 : i32 to index
        %parallel_loop3A_1169 = tpu.vector_load %arg13[%parallel_loop3A_1168] {strides = array<i32>} : memref<144xi32, #tpu.memory_space<vmem>>, vector<16xi32>,
        %parallel_loop3A_1170 = arith.index_cast %parallel_loop3A_1167 : i32 to index
        %parallel_loop3A_1171 = tpu.vector_load %arg14[%parallel_loop3A_1170] {strides = array<i32>} : memref<144xf32, #tpu.memory_space<vmem>>, vector<16xf32>,
        %parallel_loop3A_1172 = vector.extract_strided_slice %parallel_loop3A_1169 {offsets = [0], sizes = [1], strides = [1]} : vector<16xi32> to vector<1xi32>
        %parallel_loop3A_1173 = vector.extract %parallel_loop3A_1172[0] : i32 from vector<1xi32>
        %parallel_loop3A_1174 = vector.broadcast %parallel_loop3A_1173 : i32 to vector<16xi32>
        %parallel_loop3A_1175 = arith.addi %parallel_loop3A_1174, %mul3A_12 : vector<16xi32>
        %parallel_loop3A_1176 = arith.constant 1 : i32
        %parallel_loop3A_1177 = vector.broadcast %parallel_loop3A_1176 : i32 to vector<16xi32>
        %parallel_loop3A_1178 = arith.addi %parallel_loop3A_1175, %parallel_loop3A_1177 : vector<16xi32>
        %parallel_loop3A_1179 = vector.extract_strided_slice %parallel_loop3A_1171 {offsets = [0], sizes = [1], strides = [1]} : vector<16xf32> to vector<1xf32>
        %parallel_loop3A_1180 = vector.extract %parallel_loop3A_1179[0] : f32 from vector<1xf32>
        %parallel_loop3A_1181 = vector.broadcast %parallel_loop3A_1180 : f32 to vector<16xf32>
        %parallel_loop3A_1182 = arith.constant 0 : i32
        %parallel_loop3A_1183 = arith.index_cast %parallel_loop3A_1182 : i32 to index
        %parallel_loop3A_1184 = arith.index_cast %parallel_loop3A_1167 : i32 to index
        %parallel_loop3A_1185 = arith.constant 0 : index
        %parallel_loop3A_1186 = tpu.vector_load %arg15[%parallel_loop3A_1183, %parallel_loop3A_1184, %parallel_loop3A_1185] {strides = array<i32>} : memref<2x128x64xbf16, #tpu.memory_space<vmem>>, vector<32xbf16>,
        %parallel_loop3A_1187 = vector.bitcast %parallel_loop3A_1186 : vector<32xbf16> to vector<16xi32>
        %parallel_loop3A_1188 = arith.constant 16 : i32
        %parallel_loop3A_1189 = vector.broadcast %parallel_loop3A_1188 : i32 to vector<16xi32>
        %parallel_loop3A_1190 = arith.shli %parallel_loop3A_1187, %parallel_loop3A_1189 : vector<16xi32>
        %parallel_loop3A_1191 = vector.bitcast %parallel_loop3A_1190 : vector<16xi32> to vector<16xf32>
        %parallel_loop3A_1192 = arith.constant -65536 : i32
        %parallel_loop3A_1193 = vector.broadcast %parallel_loop3A_1192 : i32 to vector<16xi32>
        %parallel_loop3A_1194 = arith.andi %parallel_loop3A_1187, %parallel_loop3A_1193 : vector<16xi32>
        %parallel_loop3A_1195 = vector.bitcast %parallel_loop3A_1194 : vector<16xi32> to vector<16xf32>
        %parallel_loop3A_1196 = arith.mulf %parallel_loop3A_1181, %parallel_loop3A_1191 : vector<16xf32>
        %parallel_loop3A_1197 = arith.constant 0 : i32
        %parallel_loop3A_1198 = tpu.memref_slice %arg16[%parallel_loop3A_1197] : memref<32768xf32, #tpu.memory_space<vmem>> -> memref<32768xf32, #tpu.memory_space<vmem>>
        tpu.vector_store_idx %parallel_loop3A_1198[%parallel_loop3A_1175], %parallel_loop3A_1196 {add = true} : memref<32768xf32, #tpu.memory_space<vmem>>[vector<16xi32>], vector<16xf32>,
        %parallel_loop3A_1199 = arith.mulf %parallel_loop3A_1181, %parallel_loop3A_1195 : vector<16xf32>
        %parallel_loop3A_1200 = arith.constant 0 : i32
        %parallel_loop3A_1201 = tpu.memref_slice %arg16[%parallel_loop3A_1200] : memref<32768xf32, #tpu.memory_space<vmem>> -> memref<32768xf32, #tpu.memory_space<vmem>>
        tpu.vector_store_idx %parallel_loop3A_1201[%parallel_loop3A_1178], %parallel_loop3A_1199 {add = true} : memref<32768xf32, #tpu.memory_space<vmem>>[vector<16xi32>], vector<16xf32>,
        %parallel_loop3A_1202 = arith.constant 0 : i32
        %parallel_loop3A_1203 = arith.index_cast %parallel_loop3A_1202 : i32 to index
        %parallel_loop3A_1204 = arith.index_cast %parallel_loop3A_1167 : i32 to index
        %parallel_loop3A_1205 = arith.constant 32 : index
        %parallel_loop3A_1206 = tpu.vector_load %arg15[%parallel_loop3A_1203, %parallel_loop3A_1204, %parallel_loop3A_1205] {strides = array<i32>} : memref<2x128x64xbf16, #tpu.memory_space<vmem>>, vector<32xbf16>,
        %parallel_loop3A_1207 = vector.bitcast %parallel_loop3A_1206 : vector<32xbf16> to vector<16xi32>
        %parallel_loop3A_1208 = arith.constant 16 : i32
        %parallel_loop3A_1209 = vector.broadcast %parallel_loop3A_1208 : i32 to vector<16xi32>
        %parallel_loop3A_1210 = arith.shli %parallel_loop3A_1207, %parallel_loop3A_1209 : vector<16xi32>
        %parallel_loop3A_1211 = vector.bitcast %parallel_loop3A_1210 : vector<16xi32> to vector<16xf32>
        %parallel_loop3A_1212 = arith.constant -65536 : i32
        %parallel_loop3A_1213 = vector.broadcast %parallel_loop3A_1212 : i32 to vector<16xi32>
        %parallel_loop3A_1214 = arith.andi %parallel_loop3A_1207, %parallel_loop3A_1213 : vector<16xi32>
        %parallel_loop3A_1215 = vector.bitcast %parallel_loop3A_1214 : vector<16xi32> to vector<16xf32>
        %parallel_loop3A_1216 = arith.mulf %parallel_loop3A_1181, %parallel_loop3A_1211 : vector<16xf32>
        %parallel_loop3A_1217 = arith.constant 32 : i32
        %parallel_loop3A_1218 = tpu.memref_slice %arg16[%parallel_loop3A_1217] : memref<32768xf32, #tpu.memory_space<vmem>> -> memref<32736xf32, #tpu.memory_space<vmem>>
        tpu.vector_store_idx %parallel_loop3A_1218[%parallel_loop3A_1175], %parallel_loop3A_1216 {add = true} : memref<32736xf32, #tpu.memory_space<vmem>>[vector<16xi32>], vector<16xf32>,
        %parallel_loop3A_1219 = arith.mulf %parallel_loop3A_1181, %parallel_loop3A_1215 : vector<16xf32>
        %parallel_loop3A_1220 = arith.constant 32 : i32
        %parallel_loop3A_1221 = tpu.memref_slice %arg16[%parallel_loop3A_1220] : memref<32768xf32, #tpu.memory_space<vmem>> -> memref<32736xf32, #tpu.memory_space<vmem>>
        tpu.vector_store_idx %parallel_loop3A_1221[%parallel_loop3A_1178], %parallel_loop3A_1219 {add = true} : memref<32736xf32, #tpu.memory_space<vmem>>[vector<16xi32>], vector<16xf32>,
      } {sc.loop_unroll_factor = 1 : i64, sc.parallel_access}
      %mul3A_828 = arith.constant 2 : i32
      %mul3A_829 = arith.muli %scan3A_488, %mul3A_828 : i32
      %add3A_830 = arith.constant 1 : i32
      %add3A_831 = arith.addi %mul3A_829, %add3A_830 : i32
      %dma_wait3A_832 = arith.constant 0 : i32
      %dma_wait3A_833 = arith.constant 0 : i32
      %dma_wait3A_834 = tpu.memref_slice %arg10[%dma_wait3A_832, %dma_wait3A_833] : memref<2x128xi32, #tpu.memory_space<vmem>> -> memref<1x128xi32, #tpu.memory_space<vmem>>
      %dma_wait3A_835 = tpu.memref_squeeze %dma_wait3A_834 : memref<1x128xi32, #tpu.memory_space<vmem>> -> memref<128xi32, #tpu.memory_space<vmem>>
      %dma_wait3A_836 = arith.constant 0 : i32
      %dma_wait3A_837 = tpu.memref_slice %arg5[%dma_wait3A_836] : memref<523823xi32, #tpu.memory_space<hbm>> -> memref<128xi32, #tpu.memory_space<hbm>>
      %dma_wait3A_838 = arith.constant 0 : i32
      %dma_wait3A_839 = tpu.memref_slice %arg10[%dma_wait3A_832, %dma_wait3A_838] : memref<2x128xi32, #tpu.memory_space<vmem>> -> memref<1x128xi32, #tpu.memory_space<vmem>>
      %dma_wait3A_840 = tpu.memref_squeeze %dma_wait3A_839 : memref<1x128xi32, #tpu.memory_space<vmem>> -> memref<128xi32, #tpu.memory_space<vmem>>
      %dma_wait3A_841 = arith.constant 0 : i32
      %dma_wait3A_842 = tpu.memref_slice %arg5[%dma_wait3A_841] : memref<523823xi32, #tpu.memory_space<hbm>> -> memref<128xi32, #tpu.memory_space<hbm>>
      tpu.wait_dma2 semaphore(%arg17 : memref<!tpu.dma_semaphore, #tpu.memory_space<semaphore_mem>>) src(%dma_wait3A_842 : memref<128xi32, #tpu.memory_space<hbm>>) dst(%dma_wait3A_840 : memref<128xi32, #tpu.memory_space<vmem>>)
      %dma_wait3A_843 = arith.constant 0 : i32
      %dma_wait3A_844 = arith.constant 0 : i32
      %dma_wait3A_845 = tpu.memref_slice %arg11[%dma_wait3A_843, %dma_wait3A_844] : memref<2x128xi32, #tpu.memory_space<vmem>> -> memref<1x128xi32, #tpu.memory_space<vmem>>
      %dma_wait3A_846 = tpu.memref_squeeze %dma_wait3A_845 : memref<1x128xi32, #tpu.memory_space<vmem>> -> memref<128xi32, #tpu.memory_space<vmem>>
      %dma_wait3A_847 = arith.constant 0 : i32
      %dma_wait3A_848 = tpu.memref_slice %arg4[%dma_wait3A_847] : memref<523823xi32, #tpu.memory_space<hbm>> -> memref<128xi32, #tpu.memory_space<hbm>>
      %dma_wait3A_849 = arith.constant 0 : i32
      %dma_wait3A_850 = tpu.memref_slice %arg11[%dma_wait3A_843, %dma_wait3A_849] : memref<2x128xi32, #tpu.memory_space<vmem>> -> memref<1x128xi32, #tpu.memory_space<vmem>>
      %dma_wait3A_851 = tpu.memref_squeeze %dma_wait3A_850 : memref<1x128xi32, #tpu.memory_space<vmem>> -> memref<128xi32, #tpu.memory_space<vmem>>
      %dma_wait3A_852 = arith.constant 0 : i32
      %dma_wait3A_853 = tpu.memref_slice %arg4[%dma_wait3A_852] : memref<523823xi32, #tpu.memory_space<hbm>> -> memref<128xi32, #tpu.memory_space<hbm>>
      tpu.wait_dma2 semaphore(%arg17 : memref<!tpu.dma_semaphore, #tpu.memory_space<semaphore_mem>>) src(%dma_wait3A_853 : memref<128xi32, #tpu.memory_space<hbm>>) dst(%dma_wait3A_851 : memref<128xi32, #tpu.memory_space<vmem>>)
      %dma_wait3A_854 = arith.constant 0 : i32
      %dma_wait3A_855 = arith.constant 0 : i32
      %dma_wait3A_856 = tpu.memref_slice %arg12[%dma_wait3A_854, %dma_wait3A_855] : memref<2x128xf32, #tpu.memory_space<vmem>> -> memref<1x128xf32, #tpu.memory_space<vmem>>
      %dma_wait3A_857 = tpu.memref_squeeze %dma_wait3A_856 : memref<1x128xf32, #tpu.memory_space<vmem>> -> memref<128xf32, #tpu.memory_space<vmem>>
      %dma_wait3A_858 = arith.constant 0 : i32
      %dma_wait3A_859 = tpu.memref_slice %arg3[%dma_wait3A_858] : memref<523823xf32, #tpu.memory_space<hbm>> -> memref<128xf32, #tpu.memory_space<hbm>>
      %dma_wait3A_860 = arith.constant 0 : i32
      %dma_wait3A_861 = tpu.memref_slice %arg12[%dma_wait3A_854, %dma_wait3A_860] : memref<2x128xf32, #tpu.memory_space<vmem>> -> memref<1x128xf32, #tpu.memory_space<vmem>>
      %dma_wait3A_862 = tpu.memref_squeeze %dma_wait3A_861 : memref<1x128xf32, #tpu.memory_space<vmem>> -> memref<128xf32, #tpu.memory_space<vmem>>
      %dma_wait3A_863 = arith.constant 0 : i32
      %dma_wait3A_864 = tpu.memref_slice %arg3[%dma_wait3A_863] : memref<523823xf32, #tpu.memory_space<hbm>> -> memref<128xf32, #tpu.memory_space<hbm>>
      tpu.wait_dma2 semaphore(%arg17 : memref<!tpu.dma_semaphore, #tpu.memory_space<semaphore_mem>>) src(%dma_wait3A_864 : memref<128xf32, #tpu.memory_space<hbm>>) dst(%dma_wait3A_862 : memref<128xf32, #tpu.memory_space<vmem>>)
      %dma_start3A_865 = arith.constant 0 : i32
      %dma_start3A_866 = arith.constant 0 : i32
      %dma_start3A_867 = arith.constant 0 : i32
      %dma_start3A_868 = arith.constant 0 : i32
      %dma_start3A_869 = tpu.memref_slice %arg15[%dma_start3A_866, %dma_start3A_867, %dma_start3A_868] : memref<2x128x64xbf16, #tpu.memory_space<vmem>> -> memref<1x128x64xbf16, #tpu.memory_space<vmem>>
      %dma_start3A_870 = tpu.memref_squeeze %dma_start3A_869 : memref<1x128x64xbf16, #tpu.memory_space<vmem>> -> memref<128x64xbf16, #tpu.memory_space<vmem>>
      %dma_start3A_871 = arith.constant 0 : i32
      %dma_start3A_872 = tpu.memref_slice %arg10[%dma_start3A_865, %dma_start3A_871] : memref<2x128xi32, #tpu.memory_space<vmem>> -> memref<1x128xi32, #tpu.memory_space<vmem>>
      %dma_start3A_873 = tpu.memref_squeeze %dma_start3A_872 : memref<1x128xi32, #tpu.memory_space<vmem>> -> memref<128xi32, #tpu.memory_space<vmem>>
      %dma_start3A_874 = arith.constant 0 : i32
      %dma_start3A_875 = arith.constant 0 : i32
      %dma_start3A_876 = tpu.memref_slice %arg2[%dma_start3A_874, %dma_start3A_875] : memref<16384x64xbf16, #tpu.memory_space<hbm>> -> memref<16384x64xbf16, #tpu.memory_space<hbm>>
      tpu.enqueue_indirect_dma source(%dma_start3A_876 : memref<16384x64xbf16, #tpu.memory_space<hbm>>) target(%dma_start3A_870 : memref<128x64xbf16, #tpu.memory_space<vmem>>) offsets(%dma_start3A_873 : memref<128xi32, #tpu.memory_space<vmem>>) semaphore(%arg19 : memref<!tpu.dma_semaphore, #tpu.memory_space<semaphore_mem>>)
      %dma_wait3A_877 = arith.constant 1 : i32
      %dma_wait3A_878 = arith.constant 1 : i32
      %dma_wait3A_879 = arith.constant 0 : i32
      %dma_wait3A_880 = arith.constant 0 : i32
      %dma_wait3A_881 = tpu.memref_slice %arg15[%dma_wait3A_878, %dma_wait3A_879, %dma_wait3A_880] : memref<2x128x64xbf16, #tpu.memory_space<vmem>> -> memref<1x128x64xbf16, #tpu.memory_space<vmem>>
      %dma_wait3A_882 = tpu.memref_squeeze %dma_wait3A_881 : memref<1x128x64xbf16, #tpu.memory_space<vmem>> -> memref<128x64xbf16, #tpu.memory_space<vmem>>
      %dma_wait3A_883 = arith.constant 0 : i32
      %dma_wait3A_884 = tpu.memref_slice %arg10[%dma_wait3A_877, %dma_wait3A_883] : memref<2x128xi32, #tpu.memory_space<vmem>> -> memref<1x128xi32, #tpu.memory_space<vmem>>
      %dma_wait3A_885 = tpu.memref_squeeze %dma_wait3A_884 : memref<1x128xi32, #tpu.memory_space<vmem>> -> memref<128xi32, #tpu.memory_space<vmem>>
      %dma_wait3A_886 = arith.constant 0 : i32
      %dma_wait3A_887 = arith.constant 0 : i32
      %dma_wait3A_888 = tpu.memref_slice %arg2[%dma_wait3A_886, %dma_wait3A_887] : memref<16384x64xbf16, #tpu.memory_space<hbm>> -> memref<16384x64xbf16, #tpu.memory_space<hbm>>
      tpu.wait_indirect_dma semaphore(%arg20 : memref<!tpu.dma_semaphore, #tpu.memory_space<semaphore_mem>>) src(%dma_wait3A_888 : memref<16384x64xbf16, #tpu.memory_space<hbm>>) dst(%dma_wait3A_882 : memref<128x64xbf16, #tpu.memory_space<vmem>>)
      %get3A_889 = arith.constant 1 : i32
      %get3A_890 = arith.index_cast %get3A_889 : i32 to index
      %get3A_891 = arith.constant 0 : index
      %get3A_892 = tpu.vector_load %arg11[%get3A_890, %get3A_891] {strides = array<i32>} : memref<2x128xi32, #tpu.memory_space<vmem>>, vector<16xi32>,
      %sub3A_893 = vector.broadcast %mul3A_2 : i32 to vector<16xi32>
      %sub3A_894 = arith.subi %get3A_892, %sub3A_893 : vector<16xi32>
      %ge3A_895 = arith.constant 0 : i32
      %ge3A_896 = vector.broadcast %ge3A_895 : i32 to vector<16xi32>
      %ge3A_897 = arith.cmpi sge, %sub3A_894, %ge3A_896 : vector<16xi32>
      %lt3A_898 = arith.constant 512 : i32
      %lt3A_899 = vector.broadcast %lt3A_898 : i32 to vector<16xi32>
      %lt3A_900 = arith.cmpi slt, %sub3A_894, %lt3A_899 : vector<16xi32>
      %and3A_901 = arith.andi %ge3A_897, %lt3A_900 : vector<16xi1>
      %jit3A_902 = arith.constant 0 : i32
      %broadcast_in_dim3A_903 = vector.broadcast %jit3A_902 : i32 to vector<16xi32>
      %select_n3A_904 = arith.select %and3A_901, %sub3A_894, %broadcast_in_dim3A_903 : vector<16xi1>, vector<16xi32>
      %mul3A_905 = arith.constant 64 : i32
      %mul3A_906 = vector.broadcast %mul3A_905 : i32 to vector<16xi32>
      %mul3A_907 = arith.muli %select_n3A_904, %mul3A_906 : vector<16xi32>
      %swap3A_908 = arith.constant 0 : index
      %swap3A_909 = tpu.vector_load %arg13[%swap3A_908] {strides = array<i32>} : memref<144xi32, #tpu.memory_space<vmem>>, vector<16xi32>,
      tpu.vector_store %arg13[%swap3A_908], %mul3A_907 {strides = array<i32>} : memref<144xi32, #tpu.memory_space<vmem>>, vector<16xi32>,
      %get3A_910 = arith.constant 1 : i32
      %get3A_911 = arith.index_cast %get3A_910 : i32 to index
      %get3A_912 = arith.constant 0 : index
      %get3A_913 = tpu.vector_load %arg12[%get3A_911, %get3A_912] {strides = array<i32>} : memref<2x128xf32, #tpu.memory_space<vmem>>, vector<16xf32>,
      %jit3A_914 = arith.constant 0.000000e+00 : f32
      %broadcast_in_dim3A_915 = vector.broadcast %jit3A_914 : f32 to vector<16xf32>
      %select_n3A_916 = arith.select %and3A_901, %get3A_913, %broadcast_in_dim3A_915 : vector<16xi1>, vector<16xf32>
      %swap3A_917 = arith.constant 0 : index
      %swap3A_918 = tpu.vector_load %arg14[%swap3A_917] {strides = array<i32>} : memref<144xf32, #tpu.memory_space<vmem>>, vector<16xf32>,
      tpu.vector_store %arg14[%swap3A_917], %select_n3A_916 {strides = array<i32>} : memref<144xf32, #tpu.memory_space<vmem>>, vector<16xf32>,
      %get3A_919 = arith.constant 1 : i32
      %get3A_920 = arith.index_cast %get3A_919 : i32 to index
      %get3A_921 = arith.constant 16 : index
      %get3A_922 = tpu.vector_load %arg11[%get3A_920, %get3A_921] {strides = array<i32>} : memref<2x128xi32, #tpu.memory_space<vmem>>, vector<16xi32>,
      %sub3A_923 = vector.broadcast %mul3A_2 : i32 to vector<16xi32>
      %sub3A_924 = arith.subi %get3A_922, %sub3A_923 : vector<16xi32>
      %ge3A_925 = arith.constant 0 : i32
      %ge3A_926 = vector.broadcast %ge3A_925 : i32 to vector<16xi32>
      %ge3A_927 = arith.cmpi sge, %sub3A_924, %ge3A_926 : vector<16xi32>
      %lt3A_928 = arith.constant 512 : i32
      %lt3A_929 = vector.broadcast %lt3A_928 : i32 to vector<16xi32>
      %lt3A_930 = arith.cmpi slt, %sub3A_924, %lt3A_929 : vector<16xi32>
      %and3A_931 = arith.andi %ge3A_927, %lt3A_930 : vector<16xi1>
      %jit3A_932 = arith.constant 0 : i32
      %broadcast_in_dim3A_933 = vector.broadcast %jit3A_932 : i32 to vector<16xi32>
      %select_n3A_934 = arith.select %and3A_931, %sub3A_924, %broadcast_in_dim3A_933 : vector<16xi1>, vector<16xi32>
      %mul3A_935 = arith.constant 64 : i32
      %mul3A_936 = vector.broadcast %mul3A_935 : i32 to vector<16xi32>
      %mul3A_937 = arith.muli %select_n3A_934, %mul3A_936 : vector<16xi32>
      %swap3A_938 = arith.constant 16 : index
      %swap3A_939 = tpu.vector_load %arg13[%swap3A_938] {strides = array<i32>} : memref<144xi32, #tpu.memory_space<vmem>>, vector<16xi32>,
      tpu.vector_store %arg13[%swap3A_938], %mul3A_937 {strides = array<i32>} : memref<144xi32, #tpu.memory_space<vmem>>, vector<16xi32>,
      %get3A_940 = arith.constant 1 : i32
      %get3A_941 = arith.index_cast %get3A_940 : i32 to index
      %get3A_942 = arith.constant 16 : index
      %get3A_943 = tpu.vector_load %arg12[%get3A_941, %get3A_942] {strides = array<i32>} : memref<2x128xf32, #tpu.memory_space<vmem>>, vector<16xf32>,
      %jit3A_944 = arith.constant 0.000000e+00 : f32
      %broadcast_in_dim3A_945 = vector.broadcast %jit3A_944 : f32 to vector<16xf32>
      %select_n3A_946 = arith.select %and3A_931, %get3A_943, %broadcast_in_dim3A_945 : vector<16xi1>, vector<16xf32>
      %swap3A_947 = arith.constant 16 : index
      %swap3A_948 = tpu.vector_load %arg14[%swap3A_947] {strides = array<i32>} : memref<144xf32, #tpu.memory_space<vmem>>, vector<16xf32>,
      tpu.vector_store %arg14[%swap3A_947], %select_n3A_946 {strides = array<i32>} : memref<144xf32, #tpu.memory_space<vmem>>, vector<16xf32>,
      %get3A_949 = arith.constant 1 : i32
      %get3A_950 = arith.index_cast %get3A_949 : i32 to index
      %get3A_951 = arith.constant 32 : index
      %get3A_952 = tpu.vector_load %arg11[%get3A_950, %get3A_951] {strides = array<i32>} : memref<2x128xi32, #tpu.memory_space<vmem>>, vector<16xi32>,
      %sub3A_953 = vector.broadcast %mul3A_2 : i32 to vector<16xi32>
      %sub3A_954 = arith.subi %get3A_952, %sub3A_953 : vector<16xi32>
      %ge3A_955 = arith.constant 0 : i32
      %ge3A_956 = vector.broadcast %ge3A_955 : i32 to vector<16xi32>
      %ge3A_957 = arith.cmpi sge, %sub3A_954, %ge3A_956 : vector<16xi32>
      %lt3A_958 = arith.constant 512 : i32
      %lt3A_959 = vector.broadcast %lt3A_958 : i32 to vector<16xi32>
      %lt3A_960 = arith.cmpi slt, %sub3A_954, %lt3A_959 : vector<16xi32>
      %and3A_961 = arith.andi %ge3A_957, %lt3A_960 : vector<16xi1>
      %jit3A_962 = arith.constant 0 : i32
      %broadcast_in_dim3A_963 = vector.broadcast %jit3A_962 : i32 to vector<16xi32>
      %select_n3A_964 = arith.select %and3A_961, %sub3A_954, %broadcast_in_dim3A_963 : vector<16xi1>, vector<16xi32>
      %mul3A_965 = arith.constant 64 : i32
      %mul3A_966 = vector.broadcast %mul3A_965 : i32 to vector<16xi32>
      %mul3A_967 = arith.muli %select_n3A_964, %mul3A_966 : vector<16xi32>
      %swap3A_968 = arith.constant 32 : index
      %swap3A_969 = tpu.vector_load %arg13[%swap3A_968] {strides = array<i32>} : memref<144xi32, #tpu.memory_space<vmem>>, vector<16xi32>,
      tpu.vector_store %arg13[%swap3A_968], %mul3A_967 {strides = array<i32>} : memref<144xi32, #tpu.memory_space<vmem>>, vector<16xi32>,
      %get3A_970 = arith.constant 1 : i32
      %get3A_971 = arith.index_cast %get3A_970 : i32 to index
      %get3A_972 = arith.constant 32 : index
      %get3A_973 = tpu.vector_load %arg12[%get3A_971, %get3A_972] {strides = array<i32>} : memref<2x128xf32, #tpu.memory_space<vmem>>, vector<16xf32>,
      %jit3A_974 = arith.constant 0.000000e+00 : f32
      %broadcast_in_dim3A_975 = vector.broadcast %jit3A_974 : f32 to vector<16xf32>
      %select_n3A_976 = arith.select %and3A_961, %get3A_973, %broadcast_in_dim3A_975 : vector<16xi1>, vector<16xf32>
      %swap3A_977 = arith.constant 32 : index
      %swap3A_978 = tpu.vector_load %arg14[%swap3A_977] {strides = array<i32>} : memref<144xf32, #tpu.memory_space<vmem>>, vector<16xf32>,
      tpu.vector_store %arg14[%swap3A_977], %select_n3A_976 {strides = array<i32>} : memref<144xf32, #tpu.memory_space<vmem>>, vector<16xf32>,
      %get3A_979 = arith.constant 1 : i32
      %get3A_980 = arith.index_cast %get3A_979 : i32 to index
      %get3A_981 = arith.constant 48 : index
      %get3A_982 = tpu.vector_load %arg11[%get3A_980, %get3A_981] {strides = array<i32>} : memref<2x128xi32, #tpu.memory_space<vmem>>, vector<16xi32>,
      %sub3A_983 = vector.broadcast %mul3A_2 : i32 to vector<16xi32>
      %sub3A_984 = arith.subi %get3A_982, %sub3A_983 : vector<16xi32>
      %ge3A_985 = arith.constant 0 : i32
      %ge3A_986 = vector.broadcast %ge3A_985 : i32 to vector<16xi32>
      %ge3A_987 = arith.cmpi sge, %sub3A_984, %ge3A_986 : vector<16xi32>
      %lt3A_988 = arith.constant 512 : i32
      %lt3A_989 = vector.broadcast %lt3A_988 : i32 to vector<16xi32>
      %lt3A_990 = arith.cmpi slt, %sub3A_984, %lt3A_989 : vector<16xi32>
      %and3A_991 = arith.andi %ge3A_987, %lt3A_990 : vector<16xi1>
      %jit3A_992 = arith.constant 0 : i32
      %broadcast_in_dim3A_993 = vector.broadcast %jit3A_992 : i32 to vector<16xi32>
      %select_n3A_994 = arith.select %and3A_991, %sub3A_984, %broadcast_in_dim3A_993 : vector<16xi1>, vector<16xi32>
      %mul3A_995 = arith.constant 64 : i32
      %mul3A_996 = vector.broadcast %mul3A_995 : i32 to vector<16xi32>
      %mul3A_997 = arith.muli %select_n3A_994, %mul3A_996 : vector<16xi32>
      %swap3A_998 = arith.constant 48 : index
      %swap3A_999 = tpu.vector_load %arg13[%swap3A_998] {strides = array<i32>} : memref<144xi32, #tpu.memory_space<vmem>>, vector<16xi32>,
      tpu.vector_store %arg13[%swap3A_998], %mul3A_997 {strides = array<i32>} : memref<144xi32, #tpu.memory_space<vmem>>, vector<16xi32>,
      %get3A_1000 = arith.constant 1 : i32
      %get3A_1001 = arith.index_cast %get3A_1000 : i32 to index
      %get3A_1002 = arith.constant 48 : index
      %get3A_1003 = tpu.vector_load %arg12[%get3A_1001, %get3A_1002] {strides = array<i32>} : memref<2x128xf32, #tpu.memory_space<vmem>>, vector<16xf32>,
      %jit3A_1004 = arith.constant 0.000000e+00 : f32
      %broadcast_in_dim3A_1005 = vector.broadcast %jit3A_1004 : f32 to vector<16xf32>
      %select_n3A_1006 = arith.select %and3A_991, %get3A_1003, %broadcast_in_dim3A_1005 : vector<16xi1>, vector<16xf32>
      %swap3A_1007 = arith.constant 48 : index
      %swap3A_1008 = tpu.vector_load %arg14[%swap3A_1007] {strides = array<i32>} : memref<144xf32, #tpu.memory_space<vmem>>, vector<16xf32>,
      tpu.vector_store %arg14[%swap3A_1007], %select_n3A_1006 {strides = array<i32>} : memref<144xf32, #tpu.memory_space<vmem>>, vector<16xf32>,
      %get3A_1009 = arith.constant 1 : i32
      %get3A_1010 = arith.index_cast %get3A_1009 : i32 to index
      %get3A_1011 = arith.constant 64 : index
      %get3A_1012 = tpu.vector_load %arg11[%get3A_1010, %get3A_1011] {strides = array<i32>} : memref<2x128xi32, #tpu.memory_space<vmem>>, vector<16xi32>,
      %sub3A_1013 = vector.broadcast %mul3A_2 : i32 to vector<16xi32>
      %sub3A_1014 = arith.subi %get3A_1012, %sub3A_1013 : vector<16xi32>
      %ge3A_1015 = arith.constant 0 : i32
      %ge3A_1016 = vector.broadcast %ge3A_1015 : i32 to vector<16xi32>
      %ge3A_1017 = arith.cmpi sge, %sub3A_1014, %ge3A_1016 : vector<16xi32>
      %lt3A_1018 = arith.constant 512 : i32
      %lt3A_1019 = vector.broadcast %lt3A_1018 : i32 to vector<16xi32>
      %lt3A_1020 = arith.cmpi slt, %sub3A_1014, %lt3A_1019 : vector<16xi32>
      %and3A_1021 = arith.andi %ge3A_1017, %lt3A_1020 : vector<16xi1>
      %jit3A_1022 = arith.constant 0 : i32
      %broadcast_in_dim3A_1023 = vector.broadcast %jit3A_1022 : i32 to vector<16xi32>
      %select_n3A_1024 = arith.select %and3A_1021, %sub3A_1014, %broadcast_in_dim3A_1023 : vector<16xi1>, vector<16xi32>
      %mul3A_1025 = arith.constant 64 : i32
      %mul3A_1026 = vector.broadcast %mul3A_1025 : i32 to vector<16xi32>
      %mul3A_1027 = arith.muli %select_n3A_1024, %mul3A_1026 : vector<16xi32>
      %swap3A_1028 = arith.constant 64 : index
      %swap3A_1029 = tpu.vector_load %arg13[%swap3A_1028] {strides = array<i32>} : memref<144xi32, #tpu.memory_space<vmem>>, vector<16xi32>,
      tpu.vector_store %arg13[%swap3A_1028], %mul3A_1027 {strides = array<i32>} : memref<144xi32, #tpu.memory_space<vmem>>, vector<16xi32>,
      %get3A_1030 = arith.constant 1 : i32
      %get3A_1031 = arith.index_cast %get3A_1030 : i32 to index
      %get3A_1032 = arith.constant 64 : index
      %get3A_1033 = tpu.vector_load %arg12[%get3A_1031, %get3A_1032] {strides = array<i32>} : memref<2x128xf32, #tpu.memory_space<vmem>>, vector<16xf32>,
      %jit3A_1034 = arith.constant 0.000000e+00 : f32
      %broadcast_in_dim3A_1035 = vector.broadcast %jit3A_1034 : f32 to vector<16xf32>
      %select_n3A_1036 = arith.select %and3A_1021, %get3A_1033, %broadcast_in_dim3A_1035 : vector<16xi1>, vector<16xf32>
      %swap3A_1037 = arith.constant 64 : index
      %swap3A_1038 = tpu.vector_load %arg14[%swap3A_1037] {strides = array<i32>} : memref<144xf32, #tpu.memory_space<vmem>>, vector<16xf32>,
      tpu.vector_store %arg14[%swap3A_1037], %select_n3A_1036 {strides = array<i32>} : memref<144xf32, #tpu.memory_space<vmem>>, vector<16xf32>,
      %get3A_1039 = arith.constant 1 : i32
      %get3A_1040 = arith.index_cast %get3A_1039 : i32 to index
      %get3A_1041 = arith.constant 80 : index
      %get3A_1042 = tpu.vector_load %arg11[%get3A_1040, %get3A_1041] {strides = array<i32>} : memref<2x128xi32, #tpu.memory_space<vmem>>, vector<16xi32>,
      %sub3A_1043 = vector.broadcast %mul3A_2 : i32 to vector<16xi32>
      %sub3A_1044 = arith.subi %get3A_1042, %sub3A_1043 : vector<16xi32>
      %ge3A_1045 = arith.constant 0 : i32
      %ge3A_1046 = vector.broadcast %ge3A_1045 : i32 to vector<16xi32>
      %ge3A_1047 = arith.cmpi sge, %sub3A_1044, %ge3A_1046 : vector<16xi32>
      %lt3A_1048 = arith.constant 512 : i32
      %lt3A_1049 = vector.broadcast %lt3A_1048 : i32 to vector<16xi32>
      %lt3A_1050 = arith.cmpi slt, %sub3A_1044, %lt3A_1049 : vector<16xi32>
      %and3A_1051 = arith.andi %ge3A_1047, %lt3A_1050 : vector<16xi1>
      %jit3A_1052 = arith.constant 0 : i32
      %broadcast_in_dim3A_1053 = vector.broadcast %jit3A_1052 : i32 to vector<16xi32>
      %select_n3A_1054 = arith.select %and3A_1051, %sub3A_1044, %broadcast_in_dim3A_1053 : vector<16xi1>, vector<16xi32>
      %mul3A_1055 = arith.constant 64 : i32
      %mul3A_1056 = vector.broadcast %mul3A_1055 : i32 to vector<16xi32>
      %mul3A_1057 = arith.muli %select_n3A_1054, %mul3A_1056 : vector<16xi32>
      %swap3A_1058 = arith.constant 80 : index
      %swap3A_1059 = tpu.vector_load %arg13[%swap3A_1058] {strides = array<i32>} : memref<144xi32, #tpu.memory_space<vmem>>, vector<16xi32>,
      tpu.vector_store %arg13[%swap3A_1058], %mul3A_1057 {strides = array<i32>} : memref<144xi32, #tpu.memory_space<vmem>>, vector<16xi32>,
      %get3A_1060 = arith.constant 1 : i32
      %get3A_1061 = arith.index_cast %get3A_1060 : i32 to index
      %get3A_1062 = arith.constant 80 : index
      %get3A_1063 = tpu.vector_load %arg12[%get3A_1061, %get3A_1062] {strides = array<i32>} : memref<2x128xf32, #tpu.memory_space<vmem>>, vector<16xf32>,
      %jit3A_1064 = arith.constant 0.000000e+00 : f32
      %broadcast_in_dim3A_1065 = vector.broadcast %jit3A_1064 : f32 to vector<16xf32>
      %select_n3A_1066 = arith.select %and3A_1051, %get3A_1063, %broadcast_in_dim3A_1065 : vector<16xi1>, vector<16xf32>
      %swap3A_1067 = arith.constant 80 : index
      %swap3A_1068 = tpu.vector_load %arg14[%swap3A_1067] {strides = array<i32>} : memref<144xf32, #tpu.memory_space<vmem>>, vector<16xf32>,
      tpu.vector_store %arg14[%swap3A_1067], %select_n3A_1066 {strides = array<i32>} : memref<144xf32, #tpu.memory_space<vmem>>, vector<16xf32>,
      %get3A_1069 = arith.constant 1 : i32
      %get3A_1070 = arith.index_cast %get3A_1069 : i32 to index
      %get3A_1071 = arith.constant 96 : index
      %get3A_1072 = tpu.vector_load %arg11[%get3A_1070, %get3A_1071] {strides = array<i32>} : memref<2x128xi32, #tpu.memory_space<vmem>>, vector<16xi32>,
      %sub3A_1073 = vector.broadcast %mul3A_2 : i32 to vector<16xi32>
      %sub3A_1074 = arith.subi %get3A_1072, %sub3A_1073 : vector<16xi32>
      %ge3A_1075 = arith.constant 0 : i32
      %ge3A_1076 = vector.broadcast %ge3A_1075 : i32 to vector<16xi32>
      %ge3A_1077 = arith.cmpi sge, %sub3A_1074, %ge3A_1076 : vector<16xi32>
      %lt3A_1078 = arith.constant 512 : i32
      %lt3A_1079 = vector.broadcast %lt3A_1078 : i32 to vector<16xi32>
      %lt3A_1080 = arith.cmpi slt, %sub3A_1074, %lt3A_1079 : vector<16xi32>
      %and3A_1081 = arith.andi %ge3A_1077, %lt3A_1080 : vector<16xi1>
      %jit3A_1082 = arith.constant 0 : i32
      %broadcast_in_dim3A_1083 = vector.broadcast %jit3A_1082 : i32 to vector<16xi32>
      %select_n3A_1084 = arith.select %and3A_1081, %sub3A_1074, %broadcast_in_dim3A_1083 : vector<16xi1>, vector<16xi32>
      %mul3A_1085 = arith.constant 64 : i32
      %mul3A_1086 = vector.broadcast %mul3A_1085 : i32 to vector<16xi32>
      %mul3A_1087 = arith.muli %select_n3A_1084, %mul3A_1086 : vector<16xi32>
      %swap3A_1088 = arith.constant 96 : index
      %swap3A_1089 = tpu.vector_load %arg13[%swap3A_1088] {strides = array<i32>} : memref<144xi32, #tpu.memory_space<vmem>>, vector<16xi32>,
      tpu.vector_store %arg13[%swap3A_1088], %mul3A_1087 {strides = array<i32>} : memref<144xi32, #tpu.memory_space<vmem>>, vector<16xi32>,
      %get3A_1090 = arith.constant 1 : i32
      %get3A_1091 = arith.index_cast %get3A_1090 : i32 to index
      %get3A_1092 = arith.constant 96 : index
      %get3A_1093 = tpu.vector_load %arg12[%get3A_1091, %get3A_1092] {strides = array<i32>} : memref<2x128xf32, #tpu.memory_space<vmem>>, vector<16xf32>,
      %jit3A_1094 = arith.constant 0.000000e+00 : f32
      %broadcast_in_dim3A_1095 = vector.broadcast %jit3A_1094 : f32 to vector<16xf32>
      %select_n3A_1096 = arith.select %and3A_1081, %get3A_1093, %broadcast_in_dim3A_1095 : vector<16xi1>, vector<16xf32>
      %swap3A_1097 = arith.constant 96 : index
      %swap3A_1098 = tpu.vector_load %arg14[%swap3A_1097] {strides = array<i32>} : memref<144xf32, #tpu.memory_space<vmem>>, vector<16xf32>,
      tpu.vector_store %arg14[%swap3A_1097], %select_n3A_1096 {strides = array<i32>} : memref<144xf32, #tpu.memory_space<vmem>>, vector<16xf32>,
      %get3A_1099 = arith.constant 1 : i32
      %get3A_1100 = arith.index_cast %get3A_1099 : i32 to index
      %get3A_1101 = arith.constant 112 : index
      %get3A_1102 = tpu.vector_load %arg11[%get3A_1100, %get3A_1101] {strides = array<i32>} : memref<2x128xi32, #tpu.memory_space<vmem>>, vector<16xi32>,
      %sub3A_1103 = vector.broadcast %mul3A_2 : i32 to vector<16xi32>
      %sub3A_1104 = arith.subi %get3A_1102, %sub3A_1103 : vector<16xi32>
      %ge3A_1105 = arith.constant 0 : i32
      %ge3A_1106 = vector.broadcast %ge3A_1105 : i32 to vector<16xi32>
      %ge3A_1107 = arith.cmpi sge, %sub3A_1104, %ge3A_1106 : vector<16xi32>
      %lt3A_1108 = arith.constant 512 : i32
      %lt3A_1109 = vector.broadcast %lt3A_1108 : i32 to vector<16xi32>
      %lt3A_1110 = arith.cmpi slt, %sub3A_1104, %lt3A_1109 : vector<16xi32>
      %and3A_1111 = arith.andi %ge3A_1107, %lt3A_1110 : vector<16xi1>
      %jit3A_1112 = arith.constant 0 : i32
      %broadcast_in_dim3A_1113 = vector.broadcast %jit3A_1112 : i32 to vector<16xi32>
      %select_n3A_1114 = arith.select %and3A_1111, %sub3A_1104, %broadcast_in_dim3A_1113 : vector<16xi1>, vector<16xi32>
      %mul3A_1115 = arith.constant 64 : i32
      %mul3A_1116 = vector.broadcast %mul3A_1115 : i32 to vector<16xi32>
      %mul3A_1117 = arith.muli %select_n3A_1114, %mul3A_1116 : vector<16xi32>
      %swap3A_1118 = arith.constant 112 : index
      %swap3A_1119 = tpu.vector_load %arg13[%swap3A_1118] {strides = array<i32>} : memref<144xi32, #tpu.memory_space<vmem>>, vector<16xi32>,
      tpu.vector_store %arg13[%swap3A_1118], %mul3A_1117 {strides = array<i32>} : memref<144xi32, #tpu.memory_space<vmem>>, vector<16xi32>,
      %get3A_1120 = arith.constant 1 : i32
      %get3A_1121 = arith.index_cast %get3A_1120 : i32 to index
      %get3A_1122 = arith.constant 112 : index
      %get3A_1123 = tpu.vector_load %arg12[%get3A_1121, %get3A_1122] {strides = array<i32>} : memref<2x128xf32, #tpu.memory_space<vmem>>, vector<16xf32>,
      %jit3A_1124 = arith.constant 0.000000e+00 : f32
      %broadcast_in_dim3A_1125 = vector.broadcast %jit3A_1124 : f32 to vector<16xf32>
      %select_n3A_1126 = arith.select %and3A_1111, %get3A_1123, %broadcast_in_dim3A_1125 : vector<16xi1>, vector<16xf32>
      %swap3A_1127 = arith.constant 112 : index
      %swap3A_1128 = tpu.vector_load %arg14[%swap3A_1127] {strides = array<i32>} : memref<144xf32, #tpu.memory_space<vmem>>, vector<16xf32>,
      tpu.vector_store %arg14[%swap3A_1127], %select_n3A_1126 {strides = array<i32>} : memref<144xf32, #tpu.memory_space<vmem>>, vector<16xf32>,
      %add3A_1129 = arith.constant 2 : i32
      %add3A_1130 = arith.addi %add3A_831, %add3A_1129 : i32
      %mul3A_1131 = arith.constant 128 : i32
      %mul3A_1132 = arith.muli %add3A_1130, %mul3A_1131 : i32
      %add3A_1133 = arith.addi %multiple_of3A, %mul3A_1132 : i32
      %min3A_1134 = arith.constant 523688 : i32
      %min3A_1135 = arith.minsi %add3A_1133, %min3A_1134 : i32
      %multiple_of3A_1136 = tpu.assume_multiple %min3A_1135, 8 : i32
      %dma_start3A_1137 = arith.constant 1 : i32
      %dma_start3A_1138 = arith.constant 0 : i32
      %dma_start3A_1139 = tpu.memref_slice %arg10[%dma_start3A_1137, %dma_start3A_1138] : memref<2x128xi32, #tpu.memory_space<vmem>> -> memref<1x128xi32, #tpu.memory_space<vmem>>
      %dma_start3A_1140 = tpu.memref_squeeze %dma_start3A_1139 : memref<1x128xi32, #tpu.memory_space<vmem>> -> memref<128xi32, #tpu.memory_space<vmem>>
      %dma_start3A_1141 = tpu.memref_slice %arg5[%multiple_of3A_1136] : memref<523823xi32, #tpu.memory_space<hbm>> -> memref<128xi32, #tpu.memory_space<hbm>>
      %dma_start3A_1142 = arith.constant 0 : i32
      %dma_start3A_1143 = tpu.memref_slice %arg10[%dma_start3A_1137, %dma_start3A_1142] : memref<2x128xi32, #tpu.memory_space<vmem>> -> memref<1x128xi32, #tpu.memory_space<vmem>>
      %dma_start3A_1144 = tpu.memref_squeeze %dma_start3A_1143 : memref<1x128xi32, #tpu.memory_space<vmem>> -> memref<128xi32, #tpu.memory_space<vmem>>
      %dma_start3A_1145 = tpu.memref_slice %arg5[%multiple_of3A_1136] : memref<523823xi32, #tpu.memory_space<hbm>> -> memref<128xi32, #tpu.memory_space<hbm>>
      tpu.enqueue_dma source(%dma_start3A_1145 : memref<128xi32, #tpu.memory_space<hbm>>) target(%dma_start3A_1144 : memref<128xi32, #tpu.memory_space<vmem>>) target_semaphore(%arg18 : memref<!tpu.dma_semaphore, #tpu.memory_space<semaphore_mem>>)
      %dma_start3A_1146 = arith.constant 1 : i32
      %dma_start3A_1147 = arith.constant 0 : i32
      %dma_start3A_1148 = tpu.memref_slice %arg11[%dma_start3A_1146, %dma_start3A_1147] : memref<2x128xi32, #tpu.memory_space<vmem>> -> memref<1x128xi32, #tpu.memory_space<vmem>>
      %dma_start3A_1149 = tpu.memref_squeeze %dma_start3A_1148 : memref<1x128xi32, #tpu.memory_space<vmem>> -> memref<128xi32, #tpu.memory_space<vmem>>
      %dma_start3A_1150 = tpu.memref_slice %arg4[%multiple_of3A_1136] : memref<523823xi32, #tpu.memory_space<hbm>> -> memref<128xi32, #tpu.memory_space<hbm>>
      %dma_start3A_1151 = arith.constant 0 : i32
      %dma_start3A_1152 = tpu.memref_slice %arg11[%dma_start3A_1146, %dma_start3A_1151] : memref<2x128xi32, #tpu.memory_space<vmem>> -> memref<1x128xi32, #tpu.memory_space<vmem>>
      %dma_start3A_1153 = tpu.memref_squeeze %dma_start3A_1152 : memref<1x128xi32, #tpu.memory_space<vmem>> -> memref<128xi32, #tpu.memory_space<vmem>>
      %dma_start3A_1154 = tpu.memref_slice %arg4[%multiple_of3A_1136] : memref<523823xi32, #tpu.memory_space<hbm>> -> memref<128xi32, #tpu.memory_space<hbm>>
      tpu.enqueue_dma source(%dma_start3A_1154 : memref<128xi32, #tpu.memory_space<hbm>>) target(%dma_start3A_1153 : memref<128xi32, #tpu.memory_space<vmem>>) target_semaphore(%arg18 : memref<!tpu.dma_semaphore, #tpu.memory_space<semaphore_mem>>)
      %dma_start3A_1155 = arith.constant 1 : i32
      %dma_start3A_1156 = arith.constant 0 : i32
      %dma_start3A_1157 = tpu.memref_slice %arg12[%dma_start3A_1155, %dma_start3A_1156] : memref<2x128xf32, #tpu.memory_space<vmem>> -> memref<1x128xf32, #tpu.memory_space<vmem>>
      %dma_start3A_1158 = tpu.memref_squeeze %dma_start3A_1157 : memref<1x128xf32, #tpu.memory_space<vmem>> -> memref<128xf32, #tpu.memory_space<vmem>>
      %dma_start3A_1159 = tpu.memref_slice %arg3[%multiple_of3A_1136] : memref<523823xf32, #tpu.memory_space<hbm>> -> memref<128xf32, #tpu.memory_space<hbm>>
      %dma_start3A_1160 = arith.constant 0 : i32
      %dma_start3A_1161 = tpu.memref_slice %arg12[%dma_start3A_1155, %dma_start3A_1160] : memref<2x128xf32, #tpu.memory_space<vmem>> -> memref<1x128xf32, #tpu.memory_space<vmem>>
      %dma_start3A_1162 = tpu.memref_squeeze %dma_start3A_1161 : memref<1x128xf32, #tpu.memory_space<vmem>> -> memref<128xf32, #tpu.memory_space<vmem>>
      %dma_start3A_1163 = tpu.memref_slice %arg3[%multiple_of3A_1136] : memref<523823xf32, #tpu.memory_space<hbm>> -> memref<128xf32, #tpu.memory_space<hbm>>
      tpu.enqueue_dma source(%dma_start3A_1163 : memref<128xf32, #tpu.memory_space<hbm>>) target(%dma_start3A_1162 : memref<128xf32, #tpu.memory_space<vmem>>) target_semaphore(%arg18 : memref<!tpu.dma_semaphore, #tpu.memory_space<semaphore_mem>>)
      %parallel_loop3A_1164 = arith.constant 0 : i32
      %parallel_loop3A_1165 = arith.constant 128 : i32
      %parallel_loop3A_1166 = arith.constant 1 : i32
      scf.for %parallel_loop3A_1167 = %parallel_loop3A_1164 to %parallel_loop3A_1165 step %parallel_loop3A_1166  : i32 {
        %parallel_loop3A_1168 = arith.index_cast %parallel_loop3A_1167 : i32 to index
        %parallel_loop3A_1169 = tpu.vector_load %arg13[%parallel_loop3A_1168] {strides = array<i32>} : memref<144xi32, #tpu.memory_space<vmem>>, vector<16xi32>,
        %parallel_loop3A_1170 = arith.index_cast %parallel_loop3A_1167 : i32 to index
        %parallel_loop3A_1171 = tpu.vector_load %arg14[%parallel_loop3A_1170] {strides = array<i32>} : memref<144xf32, #tpu.memory_space<vmem>>, vector<16xf32>,
        %parallel_loop3A_1172 = vector.extract_strided_slice %parallel_loop3A_1169 {offsets = [0], sizes = [1], strides = [1]} : vector<16xi32> to vector<1xi32>
        %parallel_loop3A_1173 = vector.extract %parallel_loop3A_1172[0] : i32 from vector<1xi32>
        %parallel_loop3A_1174 = vector.broadcast %parallel_loop3A_1173 : i32 to vector<16xi32>
        %parallel_loop3A_1175 = arith.addi %parallel_loop3A_1174, %mul3A_12 : vector<16xi32>
        %parallel_loop3A_1176 = arith.constant 1 : i32
        %parallel_loop3A_1177 = vector.broadcast %parallel_loop3A_1176 : i32 to vector<16xi32>
        %parallel_loop3A_1178 = arith.addi %parallel_loop3A_1175, %parallel_loop3A_1177 : vector<16xi32>
        %parallel_loop3A_1179 = vector.extract_strided_slice %parallel_loop3A_1171 {offsets = [0], sizes = [1], strides = [1]} : vector<16xf32> to vector<1xf32>
        %parallel_loop3A_1180 = vector.extract %parallel_loop3A_1179[0] : f32 from vector<1xf32>
        %parallel_loop3A_1181 = vector.broadcast %parallel_loop3A_1180 : f32 to vector<16xf32>
        %parallel_loop3A_1182 = arith.constant 1 : i32
        %parallel_loop3A_1183 = arith.index_cast %parallel_loop3A_1182 : i32 to index
        %parallel_loop3A_1184 = arith.index_cast %parallel_loop3A_1167 : i32 to index
        %parallel_loop3A_1185 = arith.constant 0 : index
        %parallel_loop3A_1186 = tpu.vector_load %arg15[%parallel_loop3A_1183, %parallel_loop3A_1184, %parallel_loop3A_1185] {strides = array<i32>} : memref<2x128x64xbf16, #tpu.memory_space<vmem>>, vector<32xbf16>,
        %parallel_loop3A_1187 = vector.bitcast %parallel_loop3A_1186 : vector<32xbf16> to vector<16xi32>
        %parallel_loop3A_1188 = arith.constant 16 : i32
        %parallel_loop3A_1189 = vector.broadcast %parallel_loop3A_1188 : i32 to vector<16xi32>
        %parallel_loop3A_1190 = arith.shli %parallel_loop3A_1187, %parallel_loop3A_1189 : vector<16xi32>
        %parallel_loop3A_1191 = vector.bitcast %parallel_loop3A_1190 : vector<16xi32> to vector<16xf32>
        %parallel_loop3A_1192 = arith.constant -65536 : i32
        %parallel_loop3A_1193 = vector.broadcast %parallel_loop3A_1192 : i32 to vector<16xi32>
        %parallel_loop3A_1194 = arith.andi %parallel_loop3A_1187, %parallel_loop3A_1193 : vector<16xi32>
        %parallel_loop3A_1195 = vector.bitcast %parallel_loop3A_1194 : vector<16xi32> to vector<16xf32>
        %parallel_loop3A_1196 = arith.mulf %parallel_loop3A_1181, %parallel_loop3A_1191 : vector<16xf32>
        %parallel_loop3A_1197 = arith.constant 0 : i32
        %parallel_loop3A_1198 = tpu.memref_slice %arg16[%parallel_loop3A_1197] : memref<32768xf32, #tpu.memory_space<vmem>> -> memref<32768xf32, #tpu.memory_space<vmem>>
        tpu.vector_store_idx %parallel_loop3A_1198[%parallel_loop3A_1175], %parallel_loop3A_1196 {add = true} : memref<32768xf32, #tpu.memory_space<vmem>>[vector<16xi32>], vector<16xf32>,
        %parallel_loop3A_1199 = arith.mulf %parallel_loop3A_1181, %parallel_loop3A_1195 : vector<16xf32>
        %parallel_loop3A_1200 = arith.constant 0 : i32
        %parallel_loop3A_1201 = tpu.memref_slice %arg16[%parallel_loop3A_1200] : memref<32768xf32, #tpu.memory_space<vmem>> -> memref<32768xf32, #tpu.memory_space<vmem>>
        tpu.vector_store_idx %parallel_loop3A_1201[%parallel_loop3A_1178], %parallel_loop3A_1199 {add = true} : memref<32768xf32, #tpu.memory_space<vmem>>[vector<16xi32>], vector<16xf32>,
        %parallel_loop3A_1202 = arith.constant 1 : i32
        %parallel_loop3A_1203 = arith.index_cast %parallel_loop3A_1202 : i32 to index
        %parallel_loop3A_1204 = arith.index_cast %parallel_loop3A_1167 : i32 to index
        %parallel_loop3A_1205 = arith.constant 32 : index
        %parallel_loop3A_1206 = tpu.vector_load %arg15[%parallel_loop3A_1203, %parallel_loop3A_1204, %parallel_loop3A_1205] {strides = array<i32>} : memref<2x128x64xbf16, #tpu.memory_space<vmem>>, vector<32xbf16>,
        %parallel_loop3A_1207 = vector.bitcast %parallel_loop3A_1206 : vector<32xbf16> to vector<16xi32>
        %parallel_loop3A_1208 = arith.constant 16 : i32
        %parallel_loop3A_1209 = vector.broadcast %parallel_loop3A_1208 : i32 to vector<16xi32>
        %parallel_loop3A_1210 = arith.shli %parallel_loop3A_1207, %parallel_loop3A_1209 : vector<16xi32>
        %parallel_loop3A_1211 = vector.bitcast %parallel_loop3A_1210 : vector<16xi32> to vector<16xf32>
        %parallel_loop3A_1212 = arith.constant -65536 : i32
        %parallel_loop3A_1213 = vector.broadcast %parallel_loop3A_1212 : i32 to vector<16xi32>
        %parallel_loop3A_1214 = arith.andi %parallel_loop3A_1207, %parallel_loop3A_1213 : vector<16xi32>
        %parallel_loop3A_1215 = vector.bitcast %parallel_loop3A_1214 : vector<16xi32> to vector<16xf32>
        %parallel_loop3A_1216 = arith.mulf %parallel_loop3A_1181, %parallel_loop3A_1211 : vector<16xf32>
        %parallel_loop3A_1217 = arith.constant 32 : i32
        %parallel_loop3A_1218 = tpu.memref_slice %arg16[%parallel_loop3A_1217] : memref<32768xf32, #tpu.memory_space<vmem>> -> memref<32736xf32, #tpu.memory_space<vmem>>
        tpu.vector_store_idx %parallel_loop3A_1218[%parallel_loop3A_1175], %parallel_loop3A_1216 {add = true} : memref<32736xf32, #tpu.memory_space<vmem>>[vector<16xi32>], vector<16xf32>,
        %parallel_loop3A_1219 = arith.mulf %parallel_loop3A_1181, %parallel_loop3A_1215 : vector<16xf32>
        %parallel_loop3A_1220 = arith.constant 32 : i32
        %parallel_loop3A_1221 = tpu.memref_slice %arg16[%parallel_loop3A_1220] : memref<32768xf32, #tpu.memory_space<vmem>> -> memref<32736xf32, #tpu.memory_space<vmem>>
        tpu.vector_store_idx %parallel_loop3A_1221[%parallel_loop3A_1178], %parallel_loop3A_1219 {add = true} : memref<32736xf32, #tpu.memory_space<vmem>>[vector<16xi32>], vector<16xf32>,
      } {sc.loop_unroll_factor = 1 : i64, sc.parallel_access}
    }
    %scan3A_129 = arith.constant 66 : i32
    %dma_wait3A_130 = arith.constant 0 : i32
    %dma_wait3A_131 = arith.constant 0 : i32
    %dma_wait3A_132 = arith.constant 0 : i32
    %dma_wait3A_133 = arith.constant 0 : i32
    %dma_wait3A_134 = tpu.memref_slice %arg15[%dma_wait3A_131, %dma_wait3A_132, %dma_wait3A_133] : memref<2x128x64xbf16, #tpu.memory_space<vmem>> -> memref<1x128x64xbf16, #tpu.memory_space<vmem>>
    %dma_wait3A_135 = tpu.memref_squeeze %dma_wait3A_134 : memref<1x128x64xbf16, #tpu.memory_space<vmem>> -> memref<128x64xbf16, #tpu.memory_space<vmem>>
    %dma_wait3A_136 = arith.constant 0 : i32
    %dma_wait3A_137 = tpu.memref_slice %arg10[%dma_wait3A_130, %dma_wait3A_136] : memref<2x128xi32, #tpu.memory_space<vmem>> -> memref<1x128xi32, #tpu.memory_space<vmem>>
    %dma_wait3A_138 = tpu.memref_squeeze %dma_wait3A_137 : memref<1x128xi32, #tpu.memory_space<vmem>> -> memref<128xi32, #tpu.memory_space<vmem>>
    %dma_wait3A_139 = arith.constant 0 : i32
    %dma_wait3A_140 = arith.constant 0 : i32
    %dma_wait3A_141 = tpu.memref_slice %arg2[%dma_wait3A_139, %dma_wait3A_140] : memref<16384x64xbf16, #tpu.memory_space<hbm>> -> memref<16384x64xbf16, #tpu.memory_space<hbm>>
    tpu.wait_indirect_dma semaphore(%arg19 : memref<!tpu.dma_semaphore, #tpu.memory_space<semaphore_mem>>) src(%dma_wait3A_141 : memref<16384x64xbf16, #tpu.memory_space<hbm>>) dst(%dma_wait3A_135 : memref<128x64xbf16, #tpu.memory_space<vmem>>)
    %dma_wait3A_142 = arith.constant 1 : i32
    %dma_wait3A_143 = arith.constant 0 : i32
    %dma_wait3A_144 = tpu.memref_slice %arg10[%dma_wait3A_142, %dma_wait3A_143] : memref<2x128xi32, #tpu.memory_space<vmem>> -> memref<1x128xi32, #tpu.memory_space<vmem>>
    %dma_wait3A_145 = tpu.memref_squeeze %dma_wait3A_144 : memref<1x128xi32, #tpu.memory_space<vmem>> -> memref<128xi32, #tpu.memory_space<vmem>>
    %dma_wait3A_146 = arith.constant 0 : i32
    %dma_wait3A_147 = tpu.memref_slice %arg5[%dma_wait3A_146] : memref<523823xi32, #tpu.memory_space<hbm>> -> memref<128xi32, #tpu.memory_space<hbm>>
    %dma_wait3A_148 = arith.constant 0 : i32
    %dma_wait3A_149 = tpu.memref_slice %arg10[%dma_wait3A_142, %dma_wait3A_148] : memref<2x128xi32, #tpu.memory_space<vmem>> -> memref<1x128xi32, #tpu.memory_space<vmem>>
    %dma_wait3A_150 = tpu.memref_squeeze %dma_wait3A_149 : memref<1x128xi32, #tpu.memory_space<vmem>> -> memref<128xi32, #tpu.memory_space<vmem>>
    %dma_wait3A_151 = arith.constant 0 : i32
    %dma_wait3A_152 = tpu.memref_slice %arg5[%dma_wait3A_151] : memref<523823xi32, #tpu.memory_space<hbm>> -> memref<128xi32, #tpu.memory_space<hbm>>
    tpu.wait_dma2 semaphore(%arg18 : memref<!tpu.dma_semaphore, #tpu.memory_space<semaphore_mem>>) src(%dma_wait3A_152 : memref<128xi32, #tpu.memory_space<hbm>>) dst(%dma_wait3A_150 : memref<128xi32, #tpu.memory_space<vmem>>)
    %dma_wait3A_153 = arith.constant 1 : i32
    %dma_wait3A_154 = arith.constant 0 : i32
    %dma_wait3A_155 = tpu.memref_slice %arg11[%dma_wait3A_153, %dma_wait3A_154] : memref<2x128xi32, #tpu.memory_space<vmem>> -> memref<1x128xi32, #tpu.memory_space<vmem>>
    %dma_wait3A_156 = tpu.memref_squeeze %dma_wait3A_155 : memref<1x128xi32, #tpu.memory_space<vmem>> -> memref<128xi32, #tpu.memory_space<vmem>>
    %dma_wait3A_157 = arith.constant 0 : i32
    %dma_wait3A_158 = tpu.memref_slice %arg4[%dma_wait3A_157] : memref<523823xi32, #tpu.memory_space<hbm>> -> memref<128xi32, #tpu.memory_space<hbm>>
    %dma_wait3A_159 = arith.constant 0 : i32
    %dma_wait3A_160 = tpu.memref_slice %arg11[%dma_wait3A_153, %dma_wait3A_159] : memref<2x128xi32, #tpu.memory_space<vmem>> -> memref<1x128xi32, #tpu.memory_space<vmem>>
    %dma_wait3A_161 = tpu.memref_squeeze %dma_wait3A_160 : memref<1x128xi32, #tpu.memory_space<vmem>> -> memref<128xi32, #tpu.memory_space<vmem>>
    %dma_wait3A_162 = arith.constant 0 : i32
    %dma_wait3A_163 = tpu.memref_slice %arg4[%dma_wait3A_162] : memref<523823xi32, #tpu.memory_space<hbm>> -> memref<128xi32, #tpu.memory_space<hbm>>
    tpu.wait_dma2 semaphore(%arg18 : memref<!tpu.dma_semaphore, #tpu.memory_space<semaphore_mem>>) src(%dma_wait3A_163 : memref<128xi32, #tpu.memory_space<hbm>>) dst(%dma_wait3A_161 : memref<128xi32, #tpu.memory_space<vmem>>)
    %dma_wait3A_164 = arith.constant 1 : i32
    %dma_wait3A_165 = arith.constant 0 : i32
    %dma_wait3A_166 = tpu.memref_slice %arg12[%dma_wait3A_164, %dma_wait3A_165] : memref<2x128xf32, #tpu.memory_space<vmem>> -> memref<1x128xf32, #tpu.memory_space<vmem>>
    %dma_wait3A_167 = tpu.memref_squeeze %dma_wait3A_166 : memref<1x128xf32, #tpu.memory_space<vmem>> -> memref<128xf32, #tpu.memory_space<vmem>>
    %dma_wait3A_168 = arith.constant 0 : i32
    %dma_wait3A_169 = tpu.memref_slice %arg3[%dma_wait3A_168] : memref<523823xf32, #tpu.memory_space<hbm>> -> memref<128xf32, #tpu.memory_space<hbm>>
    %dma_wait3A_170 = arith.constant 0 : i32
    %dma_wait3A_171 = tpu.memref_slice %arg12[%dma_wait3A_164, %dma_wait3A_170] : memref<2x128xf32, #tpu.memory_space<vmem>> -> memref<1x128xf32, #tpu.memory_space<vmem>>
    %dma_wait3A_172 = tpu.memref_squeeze %dma_wait3A_171 : memref<1x128xf32, #tpu.memory_space<vmem>> -> memref<128xf32, #tpu.memory_space<vmem>>
    %dma_wait3A_173 = arith.constant 0 : i32
    %dma_wait3A_174 = tpu.memref_slice %arg3[%dma_wait3A_173] : memref<523823xf32, #tpu.memory_space<hbm>> -> memref<128xf32, #tpu.memory_space<hbm>>
    tpu.wait_dma2 semaphore(%arg18 : memref<!tpu.dma_semaphore, #tpu.memory_space<semaphore_mem>>) src(%dma_wait3A_174 : memref<128xf32, #tpu.memory_space<hbm>>) dst(%dma_wait3A_172 : memref<128xf32, #tpu.memory_space<vmem>>)
    %add3A_175 = arith.constant 16896 : i32
    %add3A_176 = arith.addi %multiple_of3A, %add3A_175 : i32
    %run_scoped3A = arith.constant 0 : i32
    "tpu.region"() ({
      %run_scoped3A_488 = tpu.sem_alloc : memref<!tpu.dma_semaphore, #tpu.memory_space<semaphore_mem>>
      %dma_start3A_489 = arith.constant 0 : i32
      %dma_start3A_490 = tpu.memref_slice %arg10[%run_scoped3A, %dma_start3A_489] : memref<2x128xi32, #tpu.memory_space<vmem>> -> memref<1x128xi32, #tpu.memory_space<vmem>>
      %dma_start3A_491 = tpu.memref_squeeze %dma_start3A_490 : memref<1x128xi32, #tpu.memory_space<vmem>> -> memref<128xi32, #tpu.memory_space<vmem>>
      %dma_start3A_492 = arith.constant 0 : i32
      %dma_start3A_493 = tpu.memref_slice %arg10[%run_scoped3A, %dma_start3A_492] : memref<2x128xi32, #tpu.memory_space<vmem>> -> memref<1x128xi32, #tpu.memory_space<vmem>>
      %dma_start3A_494 = tpu.memref_squeeze %dma_start3A_493 : memref<1x128xi32, #tpu.memory_space<vmem>> -> memref<128xi32, #tpu.memory_space<vmem>>
      tpu.enqueue_dma source(%arg8 : memref<128xi32, #tpu.memory_space<hbm>>) target(%dma_start3A_494 : memref<128xi32, #tpu.memory_space<vmem>>) target_semaphore(%run_scoped3A_488 : memref<!tpu.dma_semaphore, #tpu.memory_space<semaphore_mem>>)
      %dma_wait3A_495 = arith.constant 0 : i32
      %dma_wait3A_496 = tpu.memref_slice %arg10[%run_scoped3A, %dma_wait3A_495] : memref<2x128xi32, #tpu.memory_space<vmem>> -> memref<1x128xi32, #tpu.memory_space<vmem>>
      %dma_wait3A_497 = tpu.memref_squeeze %dma_wait3A_496 : memref<1x128xi32, #tpu.memory_space<vmem>> -> memref<128xi32, #tpu.memory_space<vmem>>
      %dma_wait3A_498 = arith.constant 0 : i32
      %dma_wait3A_499 = tpu.memref_slice %arg10[%run_scoped3A, %dma_wait3A_498] : memref<2x128xi32, #tpu.memory_space<vmem>> -> memref<1x128xi32, #tpu.memory_space<vmem>>
      %dma_wait3A_500 = tpu.memref_squeeze %dma_wait3A_499 : memref<1x128xi32, #tpu.memory_space<vmem>> -> memref<128xi32, #tpu.memory_space<vmem>>
      tpu.wait_dma2 semaphore(%run_scoped3A_488 : memref<!tpu.dma_semaphore, #tpu.memory_space<semaphore_mem>>) src(%arg8 : memref<128xi32, #tpu.memory_space<hbm>>) dst(%dma_wait3A_500 : memref<128xi32, #tpu.memory_space<vmem>>)
      tpu.yield
    }) : () -> ()
    %run_scoped3A_177 = arith.constant 0 : i32
    "tpu.region"() ({
      %run_scoped3A_488 = tpu.sem_alloc : memref<!tpu.dma_semaphore, #tpu.memory_space<semaphore_mem>>
      %dma_start3A_489 = arith.constant 0 : i32
      %dma_start3A_490 = tpu.memref_slice %arg11[%run_scoped3A_177, %dma_start3A_489] : memref<2x128xi32, #tpu.memory_space<vmem>> -> memref<1x128xi32, #tpu.memory_space<vmem>>
      %dma_start3A_491 = tpu.memref_squeeze %dma_start3A_490 : memref<1x128xi32, #tpu.memory_space<vmem>> -> memref<128xi32, #tpu.memory_space<vmem>>
      %dma_start3A_492 = arith.constant 0 : i32
      %dma_start3A_493 = tpu.memref_slice %arg11[%run_scoped3A_177, %dma_start3A_492] : memref<2x128xi32, #tpu.memory_space<vmem>> -> memref<1x128xi32, #tpu.memory_space<vmem>>
      %dma_start3A_494 = tpu.memref_squeeze %dma_start3A_493 : memref<1x128xi32, #tpu.memory_space<vmem>> -> memref<128xi32, #tpu.memory_space<vmem>>
      tpu.enqueue_dma source(%arg7 : memref<128xi32, #tpu.memory_space<hbm>>) target(%dma_start3A_494 : memref<128xi32, #tpu.memory_space<vmem>>) target_semaphore(%run_scoped3A_488 : memref<!tpu.dma_semaphore, #tpu.memory_space<semaphore_mem>>)
      %dma_wait3A_495 = arith.constant 0 : i32
      %dma_wait3A_496 = tpu.memref_slice %arg11[%run_scoped3A_177, %dma_wait3A_495] : memref<2x128xi32, #tpu.memory_space<vmem>> -> memref<1x128xi32, #tpu.memory_space<vmem>>
      %dma_wait3A_497 = tpu.memref_squeeze %dma_wait3A_496 : memref<1x128xi32, #tpu.memory_space<vmem>> -> memref<128xi32, #tpu.memory_space<vmem>>
      %dma_wait3A_498 = arith.constant 0 : i32
      %dma_wait3A_499 = tpu.memref_slice %arg11[%run_scoped3A_177, %dma_wait3A_498] : memref<2x128xi32, #tpu.memory_space<vmem>> -> memref<1x128xi32, #tpu.memory_space<vmem>>
      %dma_wait3A_500 = tpu.memref_squeeze %dma_wait3A_499 : memref<1x128xi32, #tpu.memory_space<vmem>> -> memref<128xi32, #tpu.memory_space<vmem>>
      tpu.wait_dma2 semaphore(%run_scoped3A_488 : memref<!tpu.dma_semaphore, #tpu.memory_space<semaphore_mem>>) src(%arg7 : memref<128xi32, #tpu.memory_space<hbm>>) dst(%dma_wait3A_500 : memref<128xi32, #tpu.memory_space<vmem>>)
      tpu.yield
    }) : () -> ()
    %run_scoped3A_178 = arith.constant 0 : i32
    "tpu.region"() ({
      %run_scoped3A_488 = tpu.sem_alloc : memref<!tpu.dma_semaphore, #tpu.memory_space<semaphore_mem>>
      %dma_start3A_489 = arith.constant 0 : i32
      %dma_start3A_490 = tpu.memref_slice %arg12[%run_scoped3A_178, %dma_start3A_489] : memref<2x128xf32, #tpu.memory_space<vmem>> -> memref<1x128xf32, #tpu.memory_space<vmem>>
      %dma_start3A_491 = tpu.memref_squeeze %dma_start3A_490 : memref<1x128xf32, #tpu.memory_space<vmem>> -> memref<128xf32, #tpu.memory_space<vmem>>
      %dma_start3A_492 = arith.constant 0 : i32
      %dma_start3A_493 = tpu.memref_slice %arg12[%run_scoped3A_178, %dma_start3A_492] : memref<2x128xf32, #tpu.memory_space<vmem>> -> memref<1x128xf32, #tpu.memory_space<vmem>>
      %dma_start3A_494 = tpu.memref_squeeze %dma_start3A_493 : memref<1x128xf32, #tpu.memory_space<vmem>> -> memref<128xf32, #tpu.memory_space<vmem>>
      tpu.enqueue_dma source(%arg6 : memref<128xf32, #tpu.memory_space<hbm>>) target(%dma_start3A_494 : memref<128xf32, #tpu.memory_space<vmem>>) target_semaphore(%run_scoped3A_488 : memref<!tpu.dma_semaphore, #tpu.memory_space<semaphore_mem>>)
      %dma_wait3A_495 = arith.constant 0 : i32
      %dma_wait3A_496 = tpu.memref_slice %arg12[%run_scoped3A_178, %dma_wait3A_495] : memref<2x128xf32, #tpu.memory_space<vmem>> -> memref<1x128xf32, #tpu.memory_space<vmem>>
      %dma_wait3A_497 = tpu.memref_squeeze %dma_wait3A_496 : memref<1x128xf32, #tpu.memory_space<vmem>> -> memref<128xf32, #tpu.memory_space<vmem>>
      %dma_wait3A_498 = arith.constant 0 : i32
      %dma_wait3A_499 = tpu.memref_slice %arg12[%run_scoped3A_178, %dma_wait3A_498] : memref<2x128xf32, #tpu.memory_space<vmem>> -> memref<1x128xf32, #tpu.memory_space<vmem>>
      %dma_wait3A_500 = tpu.memref_squeeze %dma_wait3A_499 : memref<1x128xf32, #tpu.memory_space<vmem>> -> memref<128xf32, #tpu.memory_space<vmem>>
      tpu.wait_dma2 semaphore(%run_scoped3A_488 : memref<!tpu.dma_semaphore, #tpu.memory_space<semaphore_mem>>) src(%arg6 : memref<128xf32, #tpu.memory_space<hbm>>) dst(%dma_wait3A_500 : memref<128xf32, #tpu.memory_space<vmem>>)
      tpu.yield
    }) : () -> ()
    %dma_start3A_179 = arith.constant 0 : i32
    %dma_start3A_180 = arith.constant 0 : i32
    %dma_start3A_181 = arith.constant 0 : i32
    %dma_start3A_182 = arith.constant 0 : i32
    %dma_start3A_183 = tpu.memref_slice %arg15[%dma_start3A_180, %dma_start3A_181, %dma_start3A_182] : memref<2x128x64xbf16, #tpu.memory_space<vmem>> -> memref<1x128x64xbf16, #tpu.memory_space<vmem>>
    %dma_start3A_184 = tpu.memref_squeeze %dma_start3A_183 : memref<1x128x64xbf16, #tpu.memory_space<vmem>> -> memref<128x64xbf16, #tpu.memory_space<vmem>>
    %dma_start3A_185 = arith.constant 0 : i32
    %dma_start3A_186 = tpu.memref_slice %arg10[%dma_start3A_179, %dma_start3A_185] : memref<2x128xi32, #tpu.memory_space<vmem>> -> memref<1x128xi32, #tpu.memory_space<vmem>>
    %dma_start3A_187 = tpu.memref_squeeze %dma_start3A_186 : memref<1x128xi32, #tpu.memory_space<vmem>> -> memref<128xi32, #tpu.memory_space<vmem>>
    %dma_start3A_188 = arith.constant 0 : i32
    %dma_start3A_189 = arith.constant 0 : i32
    %dma_start3A_190 = tpu.memref_slice %arg2[%dma_start3A_188, %dma_start3A_189] : memref<16384x64xbf16, #tpu.memory_space<hbm>> -> memref<16384x64xbf16, #tpu.memory_space<hbm>>
    tpu.enqueue_indirect_dma source(%dma_start3A_190 : memref<16384x64xbf16, #tpu.memory_space<hbm>>) target(%dma_start3A_184 : memref<128x64xbf16, #tpu.memory_space<vmem>>) offsets(%dma_start3A_187 : memref<128xi32, #tpu.memory_space<vmem>>) semaphore(%arg19 : memref<!tpu.dma_semaphore, #tpu.memory_space<semaphore_mem>>)
    %dma_wait3A_191 = arith.constant 0 : i32
    %dma_wait3A_192 = arith.constant 0 : i32
    %dma_wait3A_193 = arith.constant 0 : i32
    %dma_wait3A_194 = arith.constant 0 : i32
    %dma_wait3A_195 = tpu.memref_slice %arg15[%dma_wait3A_192, %dma_wait3A_193, %dma_wait3A_194] : memref<2x128x64xbf16, #tpu.memory_space<vmem>> -> memref<1x128x64xbf16, #tpu.memory_space<vmem>>
    %dma_wait3A_196 = tpu.memref_squeeze %dma_wait3A_195 : memref<1x128x64xbf16, #tpu.memory_space<vmem>> -> memref<128x64xbf16, #tpu.memory_space<vmem>>
    %dma_wait3A_197 = arith.constant 0 : i32
    %dma_wait3A_198 = tpu.memref_slice %arg10[%dma_wait3A_191, %dma_wait3A_197] : memref<2x128xi32, #tpu.memory_space<vmem>> -> memref<1x128xi32, #tpu.memory_space<vmem>>
    %dma_wait3A_199 = tpu.memref_squeeze %dma_wait3A_198 : memref<1x128xi32, #tpu.memory_space<vmem>> -> memref<128xi32, #tpu.memory_space<vmem>>
    %dma_wait3A_200 = arith.constant 0 : i32
    %dma_wait3A_201 = arith.constant 0 : i32
    %dma_wait3A_202 = tpu.memref_slice %arg2[%dma_wait3A_200, %dma_wait3A_201] : memref<16384x64xbf16, #tpu.memory_space<hbm>> -> memref<16384x64xbf16, #tpu.memory_space<hbm>>
    tpu.wait_indirect_dma semaphore(%arg19 : memref<!tpu.dma_semaphore, #tpu.memory_space<semaphore_mem>>) src(%dma_wait3A_202 : memref<16384x64xbf16, #tpu.memory_space<hbm>>) dst(%dma_wait3A_196 : memref<128x64xbf16, #tpu.memory_space<vmem>>)
    %get3A = arith.constant 0 : i32
    %get3A_203 = arith.index_cast %get3A : i32 to index
    %get3A_204 = arith.constant 0 : index
    %get3A_205 = tpu.vector_load %arg11[%get3A_203, %get3A_204] {strides = array<i32>} : memref<2x128xi32, #tpu.memory_space<vmem>>, vector<16xi32>,
    %sub3A_206 = vector.broadcast %mul3A_2 : i32 to vector<16xi32>
    %sub3A_207 = arith.subi %get3A_205, %sub3A_206 : vector<16xi32>
    %ge3A = arith.constant 0 : i32
    %ge3A_208 = vector.broadcast %ge3A : i32 to vector<16xi32>
    %ge3A_209 = arith.cmpi sge, %sub3A_207, %ge3A_208 : vector<16xi32>
    %lt3A = arith.constant 512 : i32
    %lt3A_210 = vector.broadcast %lt3A : i32 to vector<16xi32>
    %lt3A_211 = arith.cmpi slt, %sub3A_207, %lt3A_210 : vector<16xi32>
    %and3A = arith.andi %ge3A_209, %lt3A_211 : vector<16xi1>
    %add3A_212 = arith.constant 523695 : i32
    %add3A_213 = vector.broadcast %add3A_212 : i32 to vector<16xi32>
    %add3A_214 = arith.addi %add3A_213, %iota3A : vector<16xi32>
    %ge3A_215 = vector.broadcast %add3A_176 : i32 to vector<16xi32>
    %ge3A_216 = arith.cmpi sge, %add3A_214, %ge3A_215 : vector<16xi32>
    %and3A_217 = arith.andi %and3A, %ge3A_216 : vector<16xi1>
    %jit3A = arith.constant 0 : i32
    %broadcast_in_dim3A_218 = vector.broadcast %jit3A : i32 to vector<16xi32>
    %select_n3A = arith.select %and3A_217, %sub3A_207, %broadcast_in_dim3A_218 : vector<16xi1>, vector<16xi32>
    %mul3A_219 = arith.constant 64 : i32
    %mul3A_220 = vector.broadcast %mul3A_219 : i32 to vector<16xi32>
    %mul3A_221 = arith.muli %select_n3A, %mul3A_220 : vector<16xi32>
    %swap3A = arith.constant 0 : index
    %swap3A_222 = tpu.vector_load %arg13[%swap3A] {strides = array<i32>} : memref<144xi32, #tpu.memory_space<vmem>>, vector<16xi32>,
    tpu.vector_store %arg13[%swap3A], %mul3A_221 {strides = array<i32>} : memref<144xi32, #tpu.memory_space<vmem>>, vector<16xi32>,
    %get3A_223 = arith.constant 0 : i32
    %get3A_224 = arith.index_cast %get3A_223 : i32 to index
    %get3A_225 = arith.constant 0 : index
    %get3A_226 = tpu.vector_load %arg12[%get3A_224, %get3A_225] {strides = array<i32>} : memref<2x128xf32, #tpu.memory_space<vmem>>, vector<16xf32>,
    %jit3A_227 = arith.constant 0.000000e+00 : f32
    %broadcast_in_dim3A_228 = vector.broadcast %jit3A_227 : f32 to vector<16xf32>
    %select_n3A_229 = arith.select %and3A_217, %get3A_226, %broadcast_in_dim3A_228 : vector<16xi1>, vector<16xf32>
    %swap3A_230 = arith.constant 0 : index
    %swap3A_231 = tpu.vector_load %arg14[%swap3A_230] {strides = array<i32>} : memref<144xf32, #tpu.memory_space<vmem>>, vector<16xf32>,
    tpu.vector_store %arg14[%swap3A_230], %select_n3A_229 {strides = array<i32>} : memref<144xf32, #tpu.memory_space<vmem>>, vector<16xf32>,
    %get3A_232 = arith.constant 0 : i32
    %get3A_233 = arith.index_cast %get3A_232 : i32 to index
    %get3A_234 = arith.constant 16 : index
    %get3A_235 = tpu.vector_load %arg11[%get3A_233, %get3A_234] {strides = array<i32>} : memref<2x128xi32, #tpu.memory_space<vmem>>, vector<16xi32>,
    %sub3A_236 = vector.broadcast %mul3A_2 : i32 to vector<16xi32>
    %sub3A_237 = arith.subi %get3A_235, %sub3A_236 : vector<16xi32>
    %ge3A_238 = arith.constant 0 : i32
    %ge3A_239 = vector.broadcast %ge3A_238 : i32 to vector<16xi32>
    %ge3A_240 = arith.cmpi sge, %sub3A_237, %ge3A_239 : vector<16xi32>
    %lt3A_241 = arith.constant 512 : i32
    %lt3A_242 = vector.broadcast %lt3A_241 : i32 to vector<16xi32>
    %lt3A_243 = arith.cmpi slt, %sub3A_237, %lt3A_242 : vector<16xi32>
    %and3A_244 = arith.andi %ge3A_240, %lt3A_243 : vector<16xi1>
    %add3A_245 = arith.constant 523711 : i32
    %add3A_246 = vector.broadcast %add3A_245 : i32 to vector<16xi32>
    %add3A_247 = arith.addi %add3A_246, %iota3A : vector<16xi32>
    %ge3A_248 = vector.broadcast %add3A_176 : i32 to vector<16xi32>
    %ge3A_249 = arith.cmpi sge, %add3A_247, %ge3A_248 : vector<16xi32>
    %and3A_250 = arith.andi %and3A_244, %ge3A_249 : vector<16xi1>
    %jit3A_251 = arith.constant 0 : i32
    %broadcast_in_dim3A_252 = vector.broadcast %jit3A_251 : i32 to vector<16xi32>
    %select_n3A_253 = arith.select %and3A_250, %sub3A_237, %broadcast_in_dim3A_252 : vector<16xi1>, vector<16xi32>
    %mul3A_254 = arith.constant 64 : i32
    %mul3A_255 = vector.broadcast %mul3A_254 : i32 to vector<16xi32>
    %mul3A_256 = arith.muli %select_n3A_253, %mul3A_255 : vector<16xi32>
    %swap3A_257 = arith.constant 16 : index
    %swap3A_258 = tpu.vector_load %arg13[%swap3A_257] {strides = array<i32>} : memref<144xi32, #tpu.memory_space<vmem>>, vector<16xi32>,
    tpu.vector_store %arg13[%swap3A_257], %mul3A_256 {strides = array<i32>} : memref<144xi32, #tpu.memory_space<vmem>>, vector<16xi32>,
    %get3A_259 = arith.constant 0 : i32
    %get3A_260 = arith.index_cast %get3A_259 : i32 to index
    %get3A_261 = arith.constant 16 : index
    %get3A_262 = tpu.vector_load %arg12[%get3A_260, %get3A_261] {strides = array<i32>} : memref<2x128xf32, #tpu.memory_space<vmem>>, vector<16xf32>,
    %jit3A_263 = arith.constant 0.000000e+00 : f32
    %broadcast_in_dim3A_264 = vector.broadcast %jit3A_263 : f32 to vector<16xf32>
    %select_n3A_265 = arith.select %and3A_250, %get3A_262, %broadcast_in_dim3A_264 : vector<16xi1>, vector<16xf32>
    %swap3A_266 = arith.constant 16 : index
    %swap3A_267 = tpu.vector_load %arg14[%swap3A_266] {strides = array<i32>} : memref<144xf32, #tpu.memory_space<vmem>>, vector<16xf32>,
    tpu.vector_store %arg14[%swap3A_266], %select_n3A_265 {strides = array<i32>} : memref<144xf32, #tpu.memory_space<vmem>>, vector<16xf32>,
    %get3A_268 = arith.constant 0 : i32
    %get3A_269 = arith.index_cast %get3A_268 : i32 to index
    %get3A_270 = arith.constant 32 : index
    %get3A_271 = tpu.vector_load %arg11[%get3A_269, %get3A_270] {strides = array<i32>} : memref<2x128xi32, #tpu.memory_space<vmem>>, vector<16xi32>,
    %sub3A_272 = vector.broadcast %mul3A_2 : i32 to vector<16xi32>
    %sub3A_273 = arith.subi %get3A_271, %sub3A_272 : vector<16xi32>
    %ge3A_274 = arith.constant 0 : i32
    %ge3A_275 = vector.broadcast %ge3A_274 : i32 to vector<16xi32>
    %ge3A_276 = arith.cmpi sge, %sub3A_273, %ge3A_275 : vector<16xi32>
    %lt3A_277 = arith.constant 512 : i32
    %lt3A_278 = vector.broadcast %lt3A_277 : i32 to vector<16xi32>
    %lt3A_279 = arith.cmpi slt, %sub3A_273, %lt3A_278 : vector<16xi32>
    %and3A_280 = arith.andi %ge3A_276, %lt3A_279 : vector<16xi1>
    %add3A_281 = arith.constant 523727 : i32
    %add3A_282 = vector.broadcast %add3A_281 : i32 to vector<16xi32>
    %add3A_283 = arith.addi %add3A_282, %iota3A : vector<16xi32>
    %ge3A_284 = vector.broadcast %add3A_176 : i32 to vector<16xi32>
    %ge3A_285 = arith.cmpi sge, %add3A_283, %ge3A_284 : vector<16xi32>
    %and3A_286 = arith.andi %and3A_280, %ge3A_285 : vector<16xi1>
    %jit3A_287 = arith.constant 0 : i32
    %broadcast_in_dim3A_288 = vector.broadcast %jit3A_287 : i32 to vector<16xi32>
    %select_n3A_289 = arith.select %and3A_286, %sub3A_273, %broadcast_in_dim3A_288 : vector<16xi1>, vector<16xi32>
    %mul3A_290 = arith.constant 64 : i32
    %mul3A_291 = vector.broadcast %mul3A_290 : i32 to vector<16xi32>
    %mul3A_292 = arith.muli %select_n3A_289, %mul3A_291 : vector<16xi32>
    %swap3A_293 = arith.constant 32 : index
    %swap3A_294 = tpu.vector_load %arg13[%swap3A_293] {strides = array<i32>} : memref<144xi32, #tpu.memory_space<vmem>>, vector<16xi32>,
    tpu.vector_store %arg13[%swap3A_293], %mul3A_292 {strides = array<i32>} : memref<144xi32, #tpu.memory_space<vmem>>, vector<16xi32>,
    %get3A_295 = arith.constant 0 : i32
    %get3A_296 = arith.index_cast %get3A_295 : i32 to index
    %get3A_297 = arith.constant 32 : index
    %get3A_298 = tpu.vector_load %arg12[%get3A_296, %get3A_297] {strides = array<i32>} : memref<2x128xf32, #tpu.memory_space<vmem>>, vector<16xf32>,
    %jit3A_299 = arith.constant 0.000000e+00 : f32
    %broadcast_in_dim3A_300 = vector.broadcast %jit3A_299 : f32 to vector<16xf32>
    %select_n3A_301 = arith.select %and3A_286, %get3A_298, %broadcast_in_dim3A_300 : vector<16xi1>, vector<16xf32>
    %swap3A_302 = arith.constant 32 : index
    %swap3A_303 = tpu.vector_load %arg14[%swap3A_302] {strides = array<i32>} : memref<144xf32, #tpu.memory_space<vmem>>, vector<16xf32>,
    tpu.vector_store %arg14[%swap3A_302], %select_n3A_301 {strides = array<i32>} : memref<144xf32, #tpu.memory_space<vmem>>, vector<16xf32>,
    %get3A_304 = arith.constant 0 : i32
    %get3A_305 = arith.index_cast %get3A_304 : i32 to index
    %get3A_306 = arith.constant 48 : index
    %get3A_307 = tpu.vector_load %arg11[%get3A_305, %get3A_306] {strides = array<i32>} : memref<2x128xi32, #tpu.memory_space<vmem>>, vector<16xi32>,
    %sub3A_308 = vector.broadcast %mul3A_2 : i32 to vector<16xi32>
    %sub3A_309 = arith.subi %get3A_307, %sub3A_308 : vector<16xi32>
    %ge3A_310 = arith.constant 0 : i32
    %ge3A_311 = vector.broadcast %ge3A_310 : i32 to vector<16xi32>
    %ge3A_312 = arith.cmpi sge, %sub3A_309, %ge3A_311 : vector<16xi32>
    %lt3A_313 = arith.constant 512 : i32
    %lt3A_314 = vector.broadcast %lt3A_313 : i32 to vector<16xi32>
    %lt3A_315 = arith.cmpi slt, %sub3A_309, %lt3A_314 : vector<16xi32>
    %and3A_316 = arith.andi %ge3A_312, %lt3A_315 : vector<16xi1>
    %add3A_317 = arith.constant 523743 : i32
    %add3A_318 = vector.broadcast %add3A_317 : i32 to vector<16xi32>
    %add3A_319 = arith.addi %add3A_318, %iota3A : vector<16xi32>
    %ge3A_320 = vector.broadcast %add3A_176 : i32 to vector<16xi32>
    %ge3A_321 = arith.cmpi sge, %add3A_319, %ge3A_320 : vector<16xi32>
    %and3A_322 = arith.andi %and3A_316, %ge3A_321 : vector<16xi1>
    %jit3A_323 = arith.constant 0 : i32
    %broadcast_in_dim3A_324 = vector.broadcast %jit3A_323 : i32 to vector<16xi32>
    %select_n3A_325 = arith.select %and3A_322, %sub3A_309, %broadcast_in_dim3A_324 : vector<16xi1>, vector<16xi32>
    %mul3A_326 = arith.constant 64 : i32
    %mul3A_327 = vector.broadcast %mul3A_326 : i32 to vector<16xi32>
    %mul3A_328 = arith.muli %select_n3A_325, %mul3A_327 : vector<16xi32>
    %swap3A_329 = arith.constant 48 : index
    %swap3A_330 = tpu.vector_load %arg13[%swap3A_329] {strides = array<i32>} : memref<144xi32, #tpu.memory_space<vmem>>, vector<16xi32>,
    tpu.vector_store %arg13[%swap3A_329], %mul3A_328 {strides = array<i32>} : memref<144xi32, #tpu.memory_space<vmem>>, vector<16xi32>,
    %get3A_331 = arith.constant 0 : i32
    %get3A_332 = arith.index_cast %get3A_331 : i32 to index
    %get3A_333 = arith.constant 48 : index
    %get3A_334 = tpu.vector_load %arg12[%get3A_332, %get3A_333] {strides = array<i32>} : memref<2x128xf32, #tpu.memory_space<vmem>>, vector<16xf32>,
    %jit3A_335 = arith.constant 0.000000e+00 : f32
    %broadcast_in_dim3A_336 = vector.broadcast %jit3A_335 : f32 to vector<16xf32>
    %select_n3A_337 = arith.select %and3A_322, %get3A_334, %broadcast_in_dim3A_336 : vector<16xi1>, vector<16xf32>
    %swap3A_338 = arith.constant 48 : index
    %swap3A_339 = tpu.vector_load %arg14[%swap3A_338] {strides = array<i32>} : memref<144xf32, #tpu.memory_space<vmem>>, vector<16xf32>,
    tpu.vector_store %arg14[%swap3A_338], %select_n3A_337 {strides = array<i32>} : memref<144xf32, #tpu.memory_space<vmem>>, vector<16xf32>,
    %get3A_340 = arith.constant 0 : i32
    %get3A_341 = arith.index_cast %get3A_340 : i32 to index
    %get3A_342 = arith.constant 64 : index
    %get3A_343 = tpu.vector_load %arg11[%get3A_341, %get3A_342] {strides = array<i32>} : memref<2x128xi32, #tpu.memory_space<vmem>>, vector<16xi32>,
    %sub3A_344 = vector.broadcast %mul3A_2 : i32 to vector<16xi32>
    %sub3A_345 = arith.subi %get3A_343, %sub3A_344 : vector<16xi32>
    %ge3A_346 = arith.constant 0 : i32
    %ge3A_347 = vector.broadcast %ge3A_346 : i32 to vector<16xi32>
    %ge3A_348 = arith.cmpi sge, %sub3A_345, %ge3A_347 : vector<16xi32>
    %lt3A_349 = arith.constant 512 : i32
    %lt3A_350 = vector.broadcast %lt3A_349 : i32 to vector<16xi32>
    %lt3A_351 = arith.cmpi slt, %sub3A_345, %lt3A_350 : vector<16xi32>
    %and3A_352 = arith.andi %ge3A_348, %lt3A_351 : vector<16xi1>
    %add3A_353 = arith.constant 523759 : i32
    %add3A_354 = vector.broadcast %add3A_353 : i32 to vector<16xi32>
    %add3A_355 = arith.addi %add3A_354, %iota3A : vector<16xi32>
    %ge3A_356 = vector.broadcast %add3A_176 : i32 to vector<16xi32>
    %ge3A_357 = arith.cmpi sge, %add3A_355, %ge3A_356 : vector<16xi32>
    %and3A_358 = arith.andi %and3A_352, %ge3A_357 : vector<16xi1>
    %jit3A_359 = arith.constant 0 : i32
    %broadcast_in_dim3A_360 = vector.broadcast %jit3A_359 : i32 to vector<16xi32>
    %select_n3A_361 = arith.select %and3A_358, %sub3A_345, %broadcast_in_dim3A_360 : vector<16xi1>, vector<16xi32>
    %mul3A_362 = arith.constant 64 : i32
    %mul3A_363 = vector.broadcast %mul3A_362 : i32 to vector<16xi32>
    %mul3A_364 = arith.muli %select_n3A_361, %mul3A_363 : vector<16xi32>
    %swap3A_365 = arith.constant 64 : index
    %swap3A_366 = tpu.vector_load %arg13[%swap3A_365] {strides = array<i32>} : memref<144xi32, #tpu.memory_space<vmem>>, vector<16xi32>,
    tpu.vector_store %arg13[%swap3A_365], %mul3A_364 {strides = array<i32>} : memref<144xi32, #tpu.memory_space<vmem>>, vector<16xi32>,
    %get3A_367 = arith.constant 0 : i32
    %get3A_368 = arith.index_cast %get3A_367 : i32 to index
    %get3A_369 = arith.constant 64 : index
    %get3A_370 = tpu.vector_load %arg12[%get3A_368, %get3A_369] {strides = array<i32>} : memref<2x128xf32, #tpu.memory_space<vmem>>, vector<16xf32>,
    %jit3A_371 = arith.constant 0.000000e+00 : f32
    %broadcast_in_dim3A_372 = vector.broadcast %jit3A_371 : f32 to vector<16xf32>
    %select_n3A_373 = arith.select %and3A_358, %get3A_370, %broadcast_in_dim3A_372 : vector<16xi1>, vector<16xf32>
    %swap3A_374 = arith.constant 64 : index
    %swap3A_375 = tpu.vector_load %arg14[%swap3A_374] {strides = array<i32>} : memref<144xf32, #tpu.memory_space<vmem>>, vector<16xf32>,
    tpu.vector_store %arg14[%swap3A_374], %select_n3A_373 {strides = array<i32>} : memref<144xf32, #tpu.memory_space<vmem>>, vector<16xf32>,
    %get3A_376 = arith.constant 0 : i32
    %get3A_377 = arith.index_cast %get3A_376 : i32 to index
    %get3A_378 = arith.constant 80 : index
    %get3A_379 = tpu.vector_load %arg11[%get3A_377, %get3A_378] {strides = array<i32>} : memref<2x128xi32, #tpu.memory_space<vmem>>, vector<16xi32>,
    %sub3A_380 = vector.broadcast %mul3A_2 : i32 to vector<16xi32>
    %sub3A_381 = arith.subi %get3A_379, %sub3A_380 : vector<16xi32>
    %ge3A_382 = arith.constant 0 : i32
    %ge3A_383 = vector.broadcast %ge3A_382 : i32 to vector<16xi32>
    %ge3A_384 = arith.cmpi sge, %sub3A_381, %ge3A_383 : vector<16xi32>
    %lt3A_385 = arith.constant 512 : i32
    %lt3A_386 = vector.broadcast %lt3A_385 : i32 to vector<16xi32>
    %lt3A_387 = arith.cmpi slt, %sub3A_381, %lt3A_386 : vector<16xi32>
    %and3A_388 = arith.andi %ge3A_384, %lt3A_387 : vector<16xi1>
    %add3A_389 = arith.constant 523775 : i32
    %add3A_390 = vector.broadcast %add3A_389 : i32 to vector<16xi32>
    %add3A_391 = arith.addi %add3A_390, %iota3A : vector<16xi32>
    %ge3A_392 = vector.broadcast %add3A_176 : i32 to vector<16xi32>
    %ge3A_393 = arith.cmpi sge, %add3A_391, %ge3A_392 : vector<16xi32>
    %and3A_394 = arith.andi %and3A_388, %ge3A_393 : vector<16xi1>
    %jit3A_395 = arith.constant 0 : i32
    %broadcast_in_dim3A_396 = vector.broadcast %jit3A_395 : i32 to vector<16xi32>
    %select_n3A_397 = arith.select %and3A_394, %sub3A_381, %broadcast_in_dim3A_396 : vector<16xi1>, vector<16xi32>
    %mul3A_398 = arith.constant 64 : i32
    %mul3A_399 = vector.broadcast %mul3A_398 : i32 to vector<16xi32>
    %mul3A_400 = arith.muli %select_n3A_397, %mul3A_399 : vector<16xi32>
    %swap3A_401 = arith.constant 80 : index
    %swap3A_402 = tpu.vector_load %arg13[%swap3A_401] {strides = array<i32>} : memref<144xi32, #tpu.memory_space<vmem>>, vector<16xi32>,
    tpu.vector_store %arg13[%swap3A_401], %mul3A_400 {strides = array<i32>} : memref<144xi32, #tpu.memory_space<vmem>>, vector<16xi32>,
    %get3A_403 = arith.constant 0 : i32
    %get3A_404 = arith.index_cast %get3A_403 : i32 to index
    %get3A_405 = arith.constant 80 : index
    %get3A_406 = tpu.vector_load %arg12[%get3A_404, %get3A_405] {strides = array<i32>} : memref<2x128xf32, #tpu.memory_space<vmem>>, vector<16xf32>,
    %jit3A_407 = arith.constant 0.000000e+00 : f32
    %broadcast_in_dim3A_408 = vector.broadcast %jit3A_407 : f32 to vector<16xf32>
    %select_n3A_409 = arith.select %and3A_394, %get3A_406, %broadcast_in_dim3A_408 : vector<16xi1>, vector<16xf32>
    %swap3A_410 = arith.constant 80 : index
    %swap3A_411 = tpu.vector_load %arg14[%swap3A_410] {strides = array<i32>} : memref<144xf32, #tpu.memory_space<vmem>>, vector<16xf32>,
    tpu.vector_store %arg14[%swap3A_410], %select_n3A_409 {strides = array<i32>} : memref<144xf32, #tpu.memory_space<vmem>>, vector<16xf32>,
    %get3A_412 = arith.constant 0 : i32
    %get3A_413 = arith.index_cast %get3A_412 : i32 to index
    %get3A_414 = arith.constant 96 : index
    %get3A_415 = tpu.vector_load %arg11[%get3A_413, %get3A_414] {strides = array<i32>} : memref<2x128xi32, #tpu.memory_space<vmem>>, vector<16xi32>,
    %sub3A_416 = vector.broadcast %mul3A_2 : i32 to vector<16xi32>
    %sub3A_417 = arith.subi %get3A_415, %sub3A_416 : vector<16xi32>
    %ge3A_418 = arith.constant 0 : i32
    %ge3A_419 = vector.broadcast %ge3A_418 : i32 to vector<16xi32>
    %ge3A_420 = arith.cmpi sge, %sub3A_417, %ge3A_419 : vector<16xi32>
    %lt3A_421 = arith.constant 512 : i32
    %lt3A_422 = vector.broadcast %lt3A_421 : i32 to vector<16xi32>
    %lt3A_423 = arith.cmpi slt, %sub3A_417, %lt3A_422 : vector<16xi32>
    %and3A_424 = arith.andi %ge3A_420, %lt3A_423 : vector<16xi1>
    %add3A_425 = arith.constant 523791 : i32
    %add3A_426 = vector.broadcast %add3A_425 : i32 to vector<16xi32>
    %add3A_427 = arith.addi %add3A_426, %iota3A : vector<16xi32>
    %ge3A_428 = vector.broadcast %add3A_176 : i32 to vector<16xi32>
    %ge3A_429 = arith.cmpi sge, %add3A_427, %ge3A_428 : vector<16xi32>
    %and3A_430 = arith.andi %and3A_424, %ge3A_429 : vector<16xi1>
    %jit3A_431 = arith.constant 0 : i32
    %broadcast_in_dim3A_432 = vector.broadcast %jit3A_431 : i32 to vector<16xi32>
    %select_n3A_433 = arith.select %and3A_430, %sub3A_417, %broadcast_in_dim3A_432 : vector<16xi1>, vector<16xi32>
    %mul3A_434 = arith.constant 64 : i32
    %mul3A_435 = vector.broadcast %mul3A_434 : i32 to vector<16xi32>
    %mul3A_436 = arith.muli %select_n3A_433, %mul3A_435 : vector<16xi32>
    %swap3A_437 = arith.constant 96 : index
    %swap3A_438 = tpu.vector_load %arg13[%swap3A_437] {strides = array<i32>} : memref<144xi32, #tpu.memory_space<vmem>>, vector<16xi32>,
    tpu.vector_store %arg13[%swap3A_437], %mul3A_436 {strides = array<i32>} : memref<144xi32, #tpu.memory_space<vmem>>, vector<16xi32>,
    %get3A_439 = arith.constant 0 : i32
    %get3A_440 = arith.index_cast %get3A_439 : i32 to index
    %get3A_441 = arith.constant 96 : index
    %get3A_442 = tpu.vector_load %arg12[%get3A_440, %get3A_441] {strides = array<i32>} : memref<2x128xf32, #tpu.memory_space<vmem>>, vector<16xf32>,
    %jit3A_443 = arith.constant 0.000000e+00 : f32
    %broadcast_in_dim3A_444 = vector.broadcast %jit3A_443 : f32 to vector<16xf32>
    %select_n3A_445 = arith.select %and3A_430, %get3A_442, %broadcast_in_dim3A_444 : vector<16xi1>, vector<16xf32>
    %swap3A_446 = arith.constant 96 : index
    %swap3A_447 = tpu.vector_load %arg14[%swap3A_446] {strides = array<i32>} : memref<144xf32, #tpu.memory_space<vmem>>, vector<16xf32>,
    tpu.vector_store %arg14[%swap3A_446], %select_n3A_445 {strides = array<i32>} : memref<144xf32, #tpu.memory_space<vmem>>, vector<16xf32>,
    %get3A_448 = arith.constant 0 : i32
    %get3A_449 = arith.index_cast %get3A_448 : i32 to index
    %get3A_450 = arith.constant 112 : index
    %get3A_451 = tpu.vector_load %arg11[%get3A_449, %get3A_450] {strides = array<i32>} : memref<2x128xi32, #tpu.memory_space<vmem>>, vector<16xi32>,
    %sub3A_452 = vector.broadcast %mul3A_2 : i32 to vector<16xi32>
    %sub3A_453 = arith.subi %get3A_451, %sub3A_452 : vector<16xi32>
    %ge3A_454 = arith.constant 0 : i32
    %ge3A_455 = vector.broadcast %ge3A_454 : i32 to vector<16xi32>
    %ge3A_456 = arith.cmpi sge, %sub3A_453, %ge3A_455 : vector<16xi32>
    %lt3A_457 = arith.constant 512 : i32
    %lt3A_458 = vector.broadcast %lt3A_457 : i32 to vector<16xi32>
    %lt3A_459 = arith.cmpi slt, %sub3A_453, %lt3A_458 : vector<16xi32>
    %and3A_460 = arith.andi %ge3A_456, %lt3A_459 : vector<16xi1>
    %add3A_461 = arith.constant 523807 : i32
    %add3A_462 = vector.broadcast %add3A_461 : i32 to vector<16xi32>
    %add3A_463 = arith.addi %add3A_462, %iota3A : vector<16xi32>
    %ge3A_464 = vector.broadcast %add3A_176 : i32 to vector<16xi32>
    %ge3A_465 = arith.cmpi sge, %add3A_463, %ge3A_464 : vector<16xi32>
    %and3A_466 = arith.andi %and3A_460, %ge3A_465 : vector<16xi1>
    %jit3A_467 = arith.constant 0 : i32
    %broadcast_in_dim3A_468 = vector.broadcast %jit3A_467 : i32 to vector<16xi32>
    %select_n3A_469 = arith.select %and3A_466, %sub3A_453, %broadcast_in_dim3A_468 : vector<16xi1>, vector<16xi32>
    %mul3A_470 = arith.constant 64 : i32
    %mul3A_471 = vector.broadcast %mul3A_470 : i32 to vector<16xi32>
    %mul3A_472 = arith.muli %select_n3A_469, %mul3A_471 : vector<16xi32>
    %swap3A_473 = arith.constant 112 : index
    %swap3A_474 = tpu.vector_load %arg13[%swap3A_473] {strides = array<i32>} : memref<144xi32, #tpu.memory_space<vmem>>, vector<16xi32>,
    tpu.vector_store %arg13[%swap3A_473], %mul3A_472 {strides = array<i32>} : memref<144xi32, #tpu.memory_space<vmem>>, vector<16xi32>,
    %get3A_475 = arith.constant 0 : i32
    %get3A_476 = arith.index_cast %get3A_475 : i32 to index
    %get3A_477 = arith.constant 112 : index
    %get3A_478 = tpu.vector_load %arg12[%get3A_476, %get3A_477] {strides = array<i32>} : memref<2x128xf32, #tpu.memory_space<vmem>>, vector<16xf32>,
    %jit3A_479 = arith.constant 0.000000e+00 : f32
    %broadcast_in_dim3A_480 = vector.broadcast %jit3A_479 : f32 to vector<16xf32>
    %select_n3A_481 = arith.select %and3A_466, %get3A_478, %broadcast_in_dim3A_480 : vector<16xi1>, vector<16xf32>
    %swap3A_482 = arith.constant 112 : index
    %swap3A_483 = tpu.vector_load %arg14[%swap3A_482] {strides = array<i32>} : memref<144xf32, #tpu.memory_space<vmem>>, vector<16xf32>,
    tpu.vector_store %arg14[%swap3A_482], %select_n3A_481 {strides = array<i32>} : memref<144xf32, #tpu.memory_space<vmem>>, vector<16xf32>,
    %parallel_loop3A = arith.constant 0 : i32
    %parallel_loop3A_484 = arith.constant 128 : i32
    %parallel_loop3A_485 = arith.constant 1 : i32
    scf.for %parallel_loop3A_488 = %parallel_loop3A to %parallel_loop3A_484 step %parallel_loop3A_485  : i32 {
      %parallel_loop3A_489 = arith.index_cast %parallel_loop3A_488 : i32 to index
      %parallel_loop3A_490 = tpu.vector_load %arg13[%parallel_loop3A_489] {strides = array<i32>} : memref<144xi32, #tpu.memory_space<vmem>>, vector<16xi32>,
      %parallel_loop3A_491 = arith.index_cast %parallel_loop3A_488 : i32 to index
      %parallel_loop3A_492 = tpu.vector_load %arg14[%parallel_loop3A_491] {strides = array<i32>} : memref<144xf32, #tpu.memory_space<vmem>>, vector<16xf32>,
      %parallel_loop3A_493 = vector.extract_strided_slice %parallel_loop3A_490 {offsets = [0], sizes = [1], strides = [1]} : vector<16xi32> to vector<1xi32>
      %parallel_loop3A_494 = vector.extract %parallel_loop3A_493[0] : i32 from vector<1xi32>
      %parallel_loop3A_495 = vector.broadcast %parallel_loop3A_494 : i32 to vector<16xi32>
      %parallel_loop3A_496 = arith.addi %parallel_loop3A_495, %mul3A_12 : vector<16xi32>
      %parallel_loop3A_497 = arith.constant 1 : i32
      %parallel_loop3A_498 = vector.broadcast %parallel_loop3A_497 : i32 to vector<16xi32>
      %parallel_loop3A_499 = arith.addi %parallel_loop3A_496, %parallel_loop3A_498 : vector<16xi32>
      %parallel_loop3A_500 = vector.extract_strided_slice %parallel_loop3A_492 {offsets = [0], sizes = [1], strides = [1]} : vector<16xf32> to vector<1xf32>
      %parallel_loop3A_501 = vector.extract %parallel_loop3A_500[0] : f32 from vector<1xf32>
      %parallel_loop3A_502 = vector.broadcast %parallel_loop3A_501 : f32 to vector<16xf32>
      %parallel_loop3A_503 = arith.constant 0 : i32
      %parallel_loop3A_504 = arith.index_cast %parallel_loop3A_503 : i32 to index
      %parallel_loop3A_505 = arith.index_cast %parallel_loop3A_488 : i32 to index
      %parallel_loop3A_506 = arith.constant 0 : index
      %parallel_loop3A_507 = tpu.vector_load %arg15[%parallel_loop3A_504, %parallel_loop3A_505, %parallel_loop3A_506] {strides = array<i32>} : memref<2x128x64xbf16, #tpu.memory_space<vmem>>, vector<32xbf16>,
      %parallel_loop3A_508 = vector.bitcast %parallel_loop3A_507 : vector<32xbf16> to vector<16xi32>
      %parallel_loop3A_509 = arith.constant 16 : i32
      %parallel_loop3A_510 = vector.broadcast %parallel_loop3A_509 : i32 to vector<16xi32>
      %parallel_loop3A_511 = arith.shli %parallel_loop3A_508, %parallel_loop3A_510 : vector<16xi32>
      %parallel_loop3A_512 = vector.bitcast %parallel_loop3A_511 : vector<16xi32> to vector<16xf32>
      %parallel_loop3A_513 = arith.constant -65536 : i32
      %parallel_loop3A_514 = vector.broadcast %parallel_loop3A_513 : i32 to vector<16xi32>
      %parallel_loop3A_515 = arith.andi %parallel_loop3A_508, %parallel_loop3A_514 : vector<16xi32>
      %parallel_loop3A_516 = vector.bitcast %parallel_loop3A_515 : vector<16xi32> to vector<16xf32>
      %parallel_loop3A_517 = arith.mulf %parallel_loop3A_502, %parallel_loop3A_512 : vector<16xf32>
      %parallel_loop3A_518 = arith.constant 0 : i32
      %parallel_loop3A_519 = tpu.memref_slice %arg16[%parallel_loop3A_518] : memref<32768xf32, #tpu.memory_space<vmem>> -> memref<32768xf32, #tpu.memory_space<vmem>>
      tpu.vector_store_idx %parallel_loop3A_519[%parallel_loop3A_496], %parallel_loop3A_517 {add = true} : memref<32768xf32, #tpu.memory_space<vmem>>[vector<16xi32>], vector<16xf32>,
      %parallel_loop3A_520 = arith.mulf %parallel_loop3A_502, %parallel_loop3A_516 : vector<16xf32>
      %parallel_loop3A_521 = arith.constant 0 : i32
      %parallel_loop3A_522 = tpu.memref_slice %arg16[%parallel_loop3A_521] : memref<32768xf32, #tpu.memory_space<vmem>> -> memref<32768xf32, #tpu.memory_space<vmem>>
      tpu.vector_store_idx %parallel_loop3A_522[%parallel_loop3A_499], %parallel_loop3A_520 {add = true} : memref<32768xf32, #tpu.memory_space<vmem>>[vector<16xi32>], vector<16xf32>,
      %parallel_loop3A_523 = arith.constant 0 : i32
      %parallel_loop3A_524 = arith.index_cast %parallel_loop3A_523 : i32 to index
      %parallel_loop3A_525 = arith.index_cast %parallel_loop3A_488 : i32 to index
      %parallel_loop3A_526 = arith.constant 32 : index
      %parallel_loop3A_527 = tpu.vector_load %arg15[%parallel_loop3A_524, %parallel_loop3A_525, %parallel_loop3A_526] {strides = array<i32>} : memref<2x128x64xbf16, #tpu.memory_space<vmem>>, vector<32xbf16>,
      %parallel_loop3A_528 = vector.bitcast %parallel_loop3A_527 : vector<32xbf16> to vector<16xi32>
      %parallel_loop3A_529 = arith.constant 16 : i32
      %parallel_loop3A_530 = vector.broadcast %parallel_loop3A_529 : i32 to vector<16xi32>
      %parallel_loop3A_531 = arith.shli %parallel_loop3A_528, %parallel_loop3A_530 : vector<16xi32>
      %parallel_loop3A_532 = vector.bitcast %parallel_loop3A_531 : vector<16xi32> to vector<16xf32>
      %parallel_loop3A_533 = arith.constant -65536 : i32
      %parallel_loop3A_534 = vector.broadcast %parallel_loop3A_533 : i32 to vector<16xi32>
      %parallel_loop3A_535 = arith.andi %parallel_loop3A_528, %parallel_loop3A_534 : vector<16xi32>
      %parallel_loop3A_536 = vector.bitcast %parallel_loop3A_535 : vector<16xi32> to vector<16xf32>
      %parallel_loop3A_537 = arith.mulf %parallel_loop3A_502, %parallel_loop3A_532 : vector<16xf32>
      %parallel_loop3A_538 = arith.constant 32 : i32
      %parallel_loop3A_539 = tpu.memref_slice %arg16[%parallel_loop3A_538] : memref<32768xf32, #tpu.memory_space<vmem>> -> memref<32736xf32, #tpu.memory_space<vmem>>
      tpu.vector_store_idx %parallel_loop3A_539[%parallel_loop3A_496], %parallel_loop3A_537 {add = true} : memref<32736xf32, #tpu.memory_space<vmem>>[vector<16xi32>], vector<16xf32>,
      %parallel_loop3A_540 = arith.mulf %parallel_loop3A_502, %parallel_loop3A_536 : vector<16xf32>
      %parallel_loop3A_541 = arith.constant 32 : i32
      %parallel_loop3A_542 = tpu.memref_slice %arg16[%parallel_loop3A_541] : memref<32768xf32, #tpu.memory_space<vmem>> -> memref<32736xf32, #tpu.memory_space<vmem>>
      tpu.vector_store_idx %parallel_loop3A_542[%parallel_loop3A_499], %parallel_loop3A_540 {add = true} : memref<32736xf32, #tpu.memory_space<vmem>>[vector<16xi32>], vector<16xf32>,
    } {sc.loop_unroll_factor = 1 : i64, sc.parallel_access}
    %mul3A_486 = arith.constant 64 : i32
    %mul3A_487 = arith.muli %mul3A_2, %mul3A_486 : i32
    "tpu.region"() ({
      %run_scoped3A_488 = tpu.sem_alloc : memref<!tpu.dma_semaphore, #tpu.memory_space<semaphore_mem>>
      %dma_start3A_489 = tpu.memref_slice %arg9[%mul3A_487] : memref<1048576xf32, #tpu.memory_space<hbm>> -> memref<32768xf32, #tpu.memory_space<hbm>>
      %dma_start3A_490 = tpu.memref_slice %arg9[%mul3A_487] : memref<1048576xf32, #tpu.memory_space<hbm>> -> memref<32768xf32, #tpu.memory_space<hbm>>
      tpu.enqueue_dma source(%arg16 : memref<32768xf32, #tpu.memory_space<vmem>>) target(%dma_start3A_490 : memref<32768xf32, #tpu.memory_space<hbm>>) target_semaphore(%run_scoped3A_488 : memref<!tpu.dma_semaphore, #tpu.memory_space<semaphore_mem>>)
      %dma_wait3A_491 = tpu.memref_slice %arg9[%mul3A_487] : memref<1048576xf32, #tpu.memory_space<hbm>> -> memref<32768xf32, #tpu.memory_space<hbm>>
      %dma_wait3A_492 = tpu.memref_slice %arg9[%mul3A_487] : memref<1048576xf32, #tpu.memory_space<hbm>> -> memref<32768xf32, #tpu.memory_space<hbm>>
      tpu.wait_dma2 semaphore(%run_scoped3A_488 : memref<!tpu.dma_semaphore, #tpu.memory_space<semaphore_mem>>) src(%arg16 : memref<32768xf32, #tpu.memory_space<vmem>>) dst(%dma_wait3A_492 : memref<32768xf32, #tpu.memory_space<hbm>>)
      tpu.yield
    }) : () -> ()
    return
  }
}

</mosaic_0001>

<sc_bundles>
// kernel: kernel.3.cloned.1.call-start
scs
__scs_entry_jumppad:
0x0: {  	(pc) =	sbr.rel $0x88, $3  }
0x1: {  	(tag) =	ssettag $0x0;
	lr =	simm.s32 $0x1  }
0x2: {  	[smem:$0x3F9D] =	sst lr;
	_ =	strace $0xD0000000  }
0x3: {  	_ = 	snop  }
0x4: {  	_ = 	snop  }
0x5: {  	_ = 	snop  }
0x6: {  	_ = 	snop  }
0x7: {  	_ = 	snop  }
__scs_overlays_trampoline_lowered:
0x8: {  	[smem:$0x3FAC] =	sst s0  }
0x9: {  	[smem:$0x3FAD] =	sst s1  }
0xa: {  	[smem:$0x3FAE] =	sst s2  }
0xb: {  	[smem:$0x3FAF] =	sst s3  }
0xc: {  	[smem:$0x3FB0] =	sst s4  }
0xd: {  	[smem:$0x3FB1] =	sst s5  }
0xe: {  	[smem:$0x3FB2] =	sst s6  }
0xf: {  	[smem:$0x3FB3] =	sst s7  }
0x10: {  	[smem:$0x3FB4] =	sst s8  }
0x11: {  	[smem:$0x3FB5] =	sst s9;
	s0 =	simm.s32 @!p0 $0x0  }
0x12: {  	s1 =	sld [smem:$0x3F9B];
	s0 =	simm.s32 @p0 $0x1  }
0x13: {  	[smem:$0x3FB6] =	sst s0;
	s0 =	simm.s32 @!p1 $0x0  }
0x14: {  	s2 =	sld [smem:$0x3F9A];
	s0 =	simm.s32 @p1 $0x1  }
0x15: {  	[smem:$0x3FB7] =	sst s0;
	s0 =	simm.s32 @!p2 $0x0  }
0x16: {  	s3 =	sld [smem:$0x3FDB];
	s0 =	simm.s32 @p2 $0x1  }
0x17: {  	s4 =	simm.s32 $0x1BF5;
	[smem:$0x3FB9] =	sst s0  }
0x18: {  	s0 =	sld [smem:$0x3F9C];
	_ =	swait.ge [sflag:s4], $0x0  }
0x19: {  	s7 =	sld [smem:$0x3F9D]  }
0x1a: {  	s8 =	sadd.s32 $0xFFFFE003, lr  }
0x1b: {  	s9 =	sadd.s32 $0xFFFFFEF7, lr;
	s5 =	simm.s32 $0xFFFFFFFF;
	p2 =	slt.u32 s8, $0xFFFFF086  }
0x1c: {  	p1 =	slt.u32 s9, $0xF7A;
	s5 =	simm.s32 @!p2 $0x0  }
0x1d: {  	s5 =	simm.s32 @p1 $0x1;
	p0 =	seq.s32 s7, s2  }
0x1e: {  	s7 =	smul.u32 @!p0 $0xF7A, s2;
	p2 =	seq.s32 @!p0 s5, $0x0  }
0x1f: {  	s9 =	smul.u32 $0xF7A, s1;
	s8 =	simm.s32 @!p0 $0x1BF5;
	p2 =	por !p2, p0  }
0x20: {  	[sflag:s8] =	ssyncset.s32 @!p0 $0xFFFFF086;
	s6 =	sadd.s32 @!p0 s3, s7;
	s7 =	simm.s32 @!p0 $0x108  }
0x21: {  	s3 =	sadd.s32 s3, s9;
	s6 =	sadd.s32 @!p0 $0x88, s6;
	s7 =	simm.s32 @p2 $0x1082  }
0x22: {  	[simem:s7], [sflag:s8] =	dma.local @!p0 [hbm:s6], $0xF7A  }
0x23: {  	s9 =	sor.u32 $0xD0000000, s2;
	s6 =	simm.s32 $0x108;
	_ =	swait.ge @!p0 [sflag:s8], $0x0  }
0x24: {  	s3 =	sadd.s32 $0x88, s3;
	s6 =	simm.s32 @!p1 $0x1082;
	[sflag:s4] =	ssyncset.s32 $0xFFFFF086  }
0x25: {  	[simem:s6], [sflag:s4] =	dma.local [hbm:s3], $0xF7A  }
0x26: {  	[smem:$0x3F9D] =	sst s1;
	(tag) =	ssettag s2;
	_ =	strace s9  }
0x27: {  	s1 =	sld [smem:$0x3FAD]  }
0x28: {  	s2 =	sld [smem:$0x3FAE]  }
0x29: {  	s4 =	sld [smem:$0x3FB0]  }
0x2a: {  	p0 =	seq.s32 s5, $0x0;
	s5 =	sld [smem:$0x3FB1]  }
0x2b: {  	s6 =	sld [smem:$0x3FB2]  }
0x2c: {  	s7 =	sld [smem:$0x3FB3]  }
0x2d: {  	s3 =	simm.s32 $0x108;
	s8 =	sld [smem:$0x3FB4]  }
0x2e: {  	s3 =	simm.s32 @!p0 $0x1082;
	s9 =	sld [smem:$0x3FB5]  }
0x2f: {  	lr =	sadd.s32 s0, s3;
	s0 =	sld [smem:$0x3FAC]  }
0x30: {  	s3 =	sld [smem:$0x3FAF]  }
0x31: {  	[smem:$0x3FB8] =	sst s10  }
0x32: {  	s10 =	sld [smem:$0x3FB6];
	_ =	sdelay $0x3  }
0x33: {  	p0 =	seq.s32 s10, $0x1;
	s10 =	sld [smem:$0x3FB8];
	_ =	sdelay $0x3  }
0x34: {  	[smem:$0x3FB8] =	sst s10  }
0x35: {  	s10 =	sld [smem:$0x3FB7];
	_ =	sdelay $0x3  }
0x36: {  	p1 =	seq.s32 s10, $0x1;
	s10 =	sld [smem:$0x3FB8];
	_ =	sdelay $0x3  }
0x37: {  	[smem:$0x3FB8] =	sst s10  }
0x38: {  	s10 =	sld [smem:$0x3FB9]  }
0x39: {  	_ = 	snop;
	(pc) =	sbr.ind lr, $3  }
0x3a: {  	_ = 	snop  }
0x3b: {  	_ = 	snop  }
0x3c: {  	p2 =	seq.s32 s10, $0x1;
	s10 =	sld [smem:$0x3FB8]  }
0x3d: {  	_ =	shalt  }
0x3e: {  	_ =	shalt  }
0x3f: {  	_ =	shalt  }
0x40: {  	_ =	shalt  }
0x41: {  	_ =	shalt  }
0x42: {  	_ =	shalt  }
0x43: {  	_ =	shalt  }
0x44: {  	_ =	shalt  }
0x45: {  	_ =	shalt  }
0x46: {  	_ =	shalt  }
0x47: {  	_ =	shalt  }
0x48: {  	_ =	shalt  }
0x49: {  	_ =	shalt  }
0x4a: {  	_ =	shalt  }
0x4b: {  	_ =	shalt  }
0x4c: {  	_ =	shalt  }
0x4d: {  	_ =	shalt  }
0x4e: {  	_ =	shalt  }
0x4f: {  	_ =	shalt  }
0x50: {  	_ =	shalt  }
0x51: {  	_ =	shalt  }
0x52: {  	_ =	shalt  }
0x53: {  	_ =	shalt  }
0x54: {  	_ =	shalt  }
0x55: {  	_ =	shalt  }
0x56: {  	_ =	shalt  }
0x57: {  	_ =	shalt  }
0x58: {  	_ =	shalt  }
0x59: {  	_ =	shalt  }
0x5a: {  	_ =	shalt  }
0x5b: {  	_ =	shalt  }
0x5c: {  	_ =	shalt  }
0x5d: {  	_ =	shalt  }
0x5e: {  	_ =	shalt  }
0x5f: {  	_ =	shalt  }
0x60: {  	_ =	shalt  }
0x61: {  	_ =	shalt  }
0x62: {  	_ =	shalt  }
0x63: {  	_ =	shalt  }
0x64: {  	_ =	shalt  }
0x65: {  	_ =	shalt  }
0x66: {  	_ =	shalt  }
0x67: {  	_ =	shalt  }
0x68: {  	_ =	shalt  }
0x69: {  	_ =	shalt  }
0x6a: {  	_ =	shalt  }
0x6b: {  	_ =	shalt  }
0x6c: {  	_ =	shalt  }
0x6d: {  	_ =	shalt  }
0x6e: {  	_ =	shalt  }
0x6f: {  	_ =	shalt  }
0x70: {  	_ =	shalt  }
0x71: {  	_ =	shalt  }
0x72: {  	_ =	shalt  }
0x73: {  	_ =	shalt  }
0x74: {  	_ =	shalt  }
0x75: {  	_ =	shalt  }
0x76: {  	_ =	shalt  }
0x77: {  	_ =	shalt  }
0x78: {  	_ =	shalt  }
0x79: {  	_ =	shalt  }
0x7a: {  	_ =	shalt  }
0x7b: {  	_ =	shalt  }
0x7c: {  	_ =	shalt  }
0x7d: {  	_ =	shalt  }
0x7e: {  	_ =	shalt  }
0x7f: {  	_ =	shalt  }
0x80: {  	_ =	shalt  }
0x81: {  	_ =	shalt  }
0x82: {  	_ =	shalt  }
0x83: {  	_ =	shalt  }
0x84: {  	_ =	shalt  }
0x85: {  	_ =	shalt  }
0x86: {  	_ =	shalt  }
0x87: {  	_ =	shalt  }
.Lfunc_end0:
.L_simem_size_0:
called_computation_lowered:
.L_overlay_start_0:
0x88: {  	s2 =	sld [smem:$0x3FD9]  }
0x89: {  	s3 =	sld [smem:$0x3FFE];
	_ =	sdelay $0x1  }
0x8a: {  	s1 =	srdreg.scid  }
0x8b: {  	s0 =	sand.u32 $0x1, s1  }
0x8c: {  	s17 =	sshll.u32 s0, $0xA;
	s2 =	sadd.s32 s3, s2  }
0x8d: {  	s2 =	sadd.s32 s2, s17  }
0x8e: {  	[smem:$0x3FC4] =	sst s2  }
0x8f: {  	_ = 	snop  }
0x90: {  	s2 =	sld [smem:$0x3FC8]  }
0x91: {  	s18 =	sld [smem:$0x3FC7]  }
0x92: {  	s4 =	sld [smem:$0x3FC6]  }
0x93: {  	s5 =	sld [smem:$0x3FD0];
	(tm) =	ssettm $0x1  }
0x94: {  	s6 =	sld [smem:$0x3FFB];
	_ =	sdelay $0x3  }
0x95: {  	_ =	strace s6  }
0x96: {  	s6 =	sld [smem:$0x3FFC];
	_ =	sdelay $0x3  }
0x97: {  	_ =	strace s6  }
0x98: {  	s6 =	sld [smem:$0x3FFD];
	_ =	sdelay $0x3  }
0x99: {  	_ =	strace s6  }
0x9a: {  	_ =	strace $0x8FFFFFFF  }
0x9b: {  	s19 =	sld [smem:$0x3FDB];
	_ =	sdelay $0x1  }
0x9c: {  	s7 =	simm.s32 $_scs_section_size  }
0x9d: {  	s8 =	simm.s32 $_size__tile_overlayer_lowered;
	s9 =	simm.s32 $_tile_overlayer_lowered  }
0x9e: {  	s22 =	simm.s32 $0x1BFF;
	s21 =	sshll.u32 s9, $0x1;
	s6 =	sadd.s32 s7, s19  }
0x9f: {  	s10 =	simm.s32 $0x0;
	s20 =	sshll.u32 s8, $0x1;
	s8 =	sadd.s32 s21, s6  }
0xa0: {  	[timem:s10], [sflag:s22] =	dma.local [hbm:s8], s20  }
0xa1: {  	_ =	swait.ge [sflag:s22], s20  }
0xa2: {  	s7 =	ssub.s32 $0x0, s20;
	[sflag:s22] =	ssyncset.done $0x0  }
0xa3: {  	[sflag:s22] =	ssyncadd.s32 s7;
	_ =	sdelay $0x1  }
0xa4: {  	s23 =	simm.s32 $0x1B8B  }
0xa5: {  	_ =	swait.ge [sflag:s23], $0x1  }
0xa6: {  	[sflag:s23] =	ssyncset.done $0x0  }
0xa7: {  	s25 =	simm.s32 $0x1B8E;
	s24 =	sld [smem:$0x3FFE];
	[sflag:s23] =	ssyncadd.s32 $0xFFFFFFFF  }
0xa8: {  	s26 =	simm.s32 $execute0_lowered;
	[smem:$0x3FD2] =	sst s25  }
0xa9: {  	s8 =	sshll.u32 s26, $0x1;
	_ =	strace $0x80000046;
	[dreg:$0x1] =	wrdreg $0xFFFFFFFF  }
0xaa: {  	s28 =	simm.s32 $_size_execute0_lowered;
	s6 =	sadd.s32 s6, s8;
	[dreg:$0x0] =	wrdreg $0x0  }
0xab: {  	s8 =	sshll.u32 s28, $0x1;
	[dreg:$0x2] =	wrdreg s6  }
0xac: {  	[dreg:$0x3] =	wrdreg s8  }
0xad: {  	[dreg:$0x4] =	wrdreg $0xC0  }
0xae: {  	_ =	task [dreg:s10], $0x5FFFF  }
0xaf: {  	[dreg:$0x1] =	wrdreg $0xFFFFFFFF  }
0xb0: {  	[dreg:$0x0] =	wrdreg $0x60  }
0xb1: {  	[dreg:$0x2] =	wrdreg s24  }
0xb2: {  	[dreg:$0x3] =	wrdreg s2  }
0xb3: {  	[dreg:$0x4] =	wrdreg s18  }
0xb4: {  	[dreg:$0x5] =	wrdreg s4  }
0xb5: {  	[dreg:$0x6] =	wrdreg s5  }
0xb6: {  	[dreg:$0x7] =	wrdreg $0x9  }
0xb7: {  	_ =	task.clear_ibuf [dreg:s10], $0x8FFFF;
	_ =	strace $0x90000046  }
0xb8: {  	s29 =	simm.s32 $0x9;
	_ =	strace $0x80000048  }
0xb9: {  	_ =	swait.ge [sflag:s29], $0x1  }
0xba: {  	[sflag:s29] =	ssyncadd.s32 $0xFFFFFFFF  }
0xbb: {  	_ =	strace $0x90000048  }
0xbc: {  	_ =	sfence  }
0xbd: {  	s30 =	sld [smem:$0x0];
	_ =	sdelay $0x2  }
0xbe: {  	s31 =	sshll.u32 s1, $0xD;
	s1 =	sshrl.u32 s1, $0x2  }
0xbf: {  	s3 =	sand.u32 $0x4000, s31;
	s1 =	sadd.s32 s1, s30  }
0xc0: {  	s0 =	sor.u32 s3, s0;
	s1 =	sshll.u32 s1, $0x11  }
0xc1: {  	s0 =	sor.u32 s1, s0  }
0xc2: {  	s0 =	sadd.s32 $0x8F2B, s0  }
0xc3: {  	[sflag:s0] =	ssyncadd.remote.s32 $0x1  }
0xc4: {  	_ =	sfence.sel $0xFFFF  }
0xc5: {  	[dreg:$0x0] =	wrdreg $0xFFFFFFFF;
	(pc) =	sbr.abs _section_cstart, $3  }
0xc6: {  	[dreg:$0x1] =	wrdreg $0xFFFFFFFF  }
0xc7: {  	_ =	task.clear_ibuf [dreg:s10], $0x2FFFF;
	_ =	strace $0x9FFFFFFF  }
0xc8: {  	(tm) =	ssettm $0x7FFFFFFF  }
0xc9: {  	_ =	shalt  }
tec
execute0_lowered:
.L_overlay_start_1:
0x0: {  	(tag) =	ssettag $0x1  }
0x1: {  	s1 =	rddreg [dreg:$0x0]  }
0x2: {  	s0 =	rddreg [dreg:$0x1]  }
0x3: {  	s3 =	srdreg.scid;
	s2 =	rddreg [dreg:$0x2]  }
0x4: {  	s4 =	rddreg [dreg:$0x3];
	s6 =	stileid.u32  }
0x5: {  	s7 =	rddreg [dreg:$0x4];
	s8 =	simm.s32 $0x0;
	s28 =	simm.s32 $0x2  }
0x6: {  	s29 =	simm.s32 $0x1420;
	s30 =	simm.s32 $0x3;
	s31 =	simm.s32 $0x2420  }
0x7: {  	s3 =	sand.u32 $0x1, s3;
	[smem:$0x7FF] =	sst s8;
	s9 =	sadd.s32 $0x400, s1  }
0x8: {  	s17 =	sadd.s32 $0x600, s1;
	s5 =	sshll.u32 s3, $0x4;
	_ =	strace $0x80000047  }
0x9: {  	[dreg:$0x6] =	wrdreg s9;
	s3 =	ssub.s32 $0x2, s3;
	s5 =	sor.u32 s6, s5  }
0xa: {  	[dreg:$0x7] =	wrdreg s17;
	s18 =	sshrl.u32 s3, $0x1;
	s6 =	sshll.u32 s5, $0xE  }
0xb: {  	s10 =	sshll.u32 s5, $0x9;
	s26 =	sshll.u32 s5, $0xC;
	s6 =	smax.u32 s6, $0x1D1  }
0xc: {  	s16 =	smin.u32 s6, $0x7BDF9;
	s6 =	sadd.s32 $0xA00, s1;
	s1 =	sadd.s32 $0x800, s1  }
0xd: {  	s5 =	simm.s32 $0x5;
	s8 =	sadd.s32 $0x7FE2F, s16;
	[dreg:$0x8] =	wrdreg s1  }
0xe: {  	s1 =	ssub.s32 s3, s18;
	s18 =	sadd.s32 s7, s26;
	s8 =	sand.u32 $0x7FE28, s8  }
0xf: {  	s26 =	simm.s32 $0x420;
	s7 =	simm.s32 $0x0;
	s19 =	smin.u32 s8, $0x7FDA8  }
0x10: {  	s21 =	sor.u32 $0x80, s8;
	s25 =	sadd.s32 $0x4200, s8;
	s16 =	sor.u32 $0x100, s8  }
0x11: {  	v3 =	vlaneseq.u32;
	s17 =	sor.u32 $0x180, s8;
	s20 =	sshrl.u32 s19, $0x3;
	s9 =	smin.u32 s21, $0x7FDA8  }
0x12: {  	v1 =	vimm.f32 $0.0e+00;
	v2 =	vmul.u32 $0x2, v3;
	v5 =	vor.u32 $0x7FE20, v3;
	s19 =	smax.u32 s1, $0x1;
	s21 =	simm.s32 $0x200;
	s11 =	sadd.s32 s4, s20  }
0x13: {  	v6 =	vor.u32 $0x7FE10, v3;
	v62 =	vor.u32 $0x7FDE0, v3;
	v4 =	vmov s25;
	s25 =	simm.s32 $0x1;
	s22 =	sadd.s32 s2, s20;
	[dreg:$0x9] =	wrdreg s11  }
0x14: {  	v63 =	vor.u32 $0x7FDB0, v3;
	s1 =	simm.s32 $0x4;
	s3 =	sadd.s32 s0, s20;
	vm0 =	vlt.u32 v4, v5;
	v5 =	vor.u32 $0x7FE00, v3;
	[dreg:$0xa] =	wrdreg s22  }
0x15: {  	v0 =	vmov s10;
	s23 =	sshrl.u32 s9, $0x3;
	s20 =	simm.s32 $0x100;
	[dreg:$0xb] =	wrdreg s3;
	vm2 =	vlt.u32 v4, v5;
	v5 =	vor.u32 $0x7FDF0, v3  }
0x16: {  	vm1 =	vlt.u32 v4, v6;
	s9 =	sadd.s32 s4, s23;
	s24 =	sadd.s32 s2, s23;
	s15 =	sadd.s32 s0, s23;
	vm3 =	vlt.u32 v4, v5;
	v5 =	vor.u32 $0x7FDD0, v3  }
0x17: {  	vm4 =	vlt.u32 v4, v62;
	s22 =	simm.s32 $0x80;
	s23 =	simm.s32 $0x180;
	[dreg:$0xc] =	wrdreg s9;
	vm5 =	vlt.u32 v4, v5;
	v5 =	vor.u32 $0x7FDC0, v3  }
0x18: {  	vm7 =	vlt.u32 v4, v63;
	s3 =	simm.s32 $0x2440;
	[dreg:$0xd] =	wrdreg s24;
	s24 =	simm.s32 $0x280;
	v3 =	vor.u32 $0x1, v2;
	vm6 =	vlt.u32 v4, v5  }
.LBB2_1:
0x19: {  	s8 =	simm.s32 $0x40;
	s9 =	simm.s32 $0x0  }
.LBB2_2:
0x1a: {  	p0 =	sne.s32 s8, $0x1FFC0;
	[tilespmem:s9+$0x2420] =	vst v1;
	s9 =	smov.u32 s8;
	s8 =	sadd.s32 $0x40, s8  }
.Ltmp0:
0x1b: {  	(pc) =	sbr.rel @p0 .LBB2_2-.Ltmp0, $2  }
0x1c: {  	_ =	sdelay $0x2  }
0x1d: {  	s9 =	sshra.s32 s9, $0x2  }
0x1e: {  	[tilespmem:s9+$0x2420] =	vst v1;
	s8 =	simm.s32 $0x0;
	s10 =	rddreg [dreg:$0x9]  }
0x1f: {  	[tilespmem:s8], [sflag:$0x1] =	stream.linear.gather [hbm4b:s10+s8], $0x80, $0x38;
	[tilespmem:$0xA420] =	vst v63  }
0x20: {  	s11 =	rddreg [dreg:$0xa]  }
0x21: {  	[tilespmem:s20], [sflag:$0x1] =	stream.linear.gather [hbm4b:s11+s8], $0x80, $0x38;
	[tilespmem:$0xA420] =	vst v63  }
0x22: {  	s12 =	rddreg [dreg:$0xb]  }
0x23: {  	[tilespmem:s21], [sflag:$0x1] =	stream.linear.gather [hbm4b:s12+s8], $0x80, $0x38;
	[tilespmem:$0xA420] =	vst v63  }
0x24: {  	s13 =	rddreg [dreg:$0xc]  }
0x25: {  	[tilespmem:s22], [sflag:$0x2] =	stream.linear.gather [hbm4b:s13+s8], $0x80, $0x38;
	[tilespmem:$0xA420] =	vst v63  }
0x26: {  	s14 =	rddreg [dreg:$0xd]  }
0x27: {  	[tilespmem:s23], [sflag:$0x2] =	stream.linear.gather [hbm4b:s14+s8], $0x80, $0x38;
	[tilespmem:$0xA420] =	vst v63  }
0x28: {  	_ = 	snop  }
0x29: {  	[tilespmem:s24], [sflag:$0x2] =	stream.linear.gather [hbm4b:s15+s8], $0x80, $0x38;
	[tilespmem:$0xA420] =	vst v63  }
0x2a: {  	_ =	swait.ge [sflag:s25], $0x80  }
0x2b: {  	[sflag:s25] =	ssyncset.done $0x0  }
0x2c: {  	[sflag:s25] =	ssyncadd.s32 $0xFFFFFF80  }
0x2d: {  	_ =	swait.ge [sflag:s25], $0x80  }
0x2e: {  	[sflag:s25] =	ssyncset.done $0x0  }
0x2f: {  	[sflag:s25] =	ssyncadd.s32 $0xFFFFFF80  }
0x30: {  	_ =	swait.ge [sflag:s25], $0x80  }
0x31: {  	[sflag:s25] =	ssyncset.done $0x0  }
0x32: {  	s9 =	simm.s32 $0x0;
	[sflag:s25] =	ssyncadd.s32 $0xFFFFFF80  }
0x33: {  	[tilespmem:s26], [sflag:$0x3] =	stream.indirect.gather [hbm4b:s6+s22], $0x20, s8, s22, $0xb8;
	[tilespmem:$0xA420] =	vst v63  }
.LBB2_4:
0x34: {  	_ =	swait.ge [sflag:s28], $0x80  }
0x35: {  	[sflag:s28] =	ssyncset.done $0x0  }
0x36: {  	[sflag:s28] =	ssyncadd.s32 $0xFFFFFF80  }
0x37: {  	_ =	swait.ge [sflag:s28], $0x80  }
0x38: {  	[sflag:s28] =	ssyncset.done $0x0  }
0x39: {  	[sflag:s28] =	ssyncadd.s32 $0xFFFFFF80  }
0x3a: {  	_ =	swait.ge [sflag:s28], $0x80  }
0x3b: {  	[sflag:s28] =	ssyncset.done $0x0  }
0x3c: {  	[sflag:s28] =	ssyncadd.s32 $0xFFFFFF80  }
0x3d: {  	[tilespmem:s29], [sflag:$0x4] =	stream.indirect.gather [hbm4b:s6+s22], $0x20, s22, s22, $0xb8;
	[tilespmem:$0xA420] =	vst v63  }
0x3e: {  	_ =	swait.ge [sflag:s30], $0x1000  }
0x3f: {  	[sflag:s30] =	ssyncset.done $0x0  }
0x40: {  	[sflag:s30] =	ssyncadd.s32 $0xFFFFF000  }
0x41: {  	v4 =	vld [tilespmem:$0x100];
	_ =	sdelay $0x1  }
0x42: {  	v5 =	vld [tilespmem:$0x110]  }
0x43: {  	v6 =	vld [tilespmem:$0x200]  }
0x44: {  	v7 =	vld [tilespmem:$0x120]  }
0x45: {  	v8 =	vld [tilespmem:$0x210];
	v4 =	vsub.s32 v4, v0  }
0x46: {  	v9 =	vld [tilespmem:$0x130];
	vm8 =	vlt.u32 v4, $0x200;
	v4 =	vshll.u32 v4, $0x6  }
0x47: {  	v10 =	vld [tilespmem:$0x220];
	v5 =	vsub.s32 v5, v0;
	v4 =	vnsel vm8, $0x0, v4  }
0x48: {  	[tilespmem:$0x300] =	vst v4;
	v4 =	vnsel vm8, $0x0, v6;
	vm8 =	vlt.u32 v5, $0x200;
	v5 =	vshll.u32 v5, $0x6;
	v6 =	vld [tilespmem:$0x140]  }
0x49: {  	[tilespmem:$0x390] =	vst v4;
	v4 =	vnsel vm8, $0x0, v5;
	v5 =	vsub.s32 v7, v0;
	v7 =	vld [tilespmem:$0x230]  }
0x4a: {  	[tilespmem:$0x310] =	vst v4;
	v4 =	vnsel vm8, $0x0, v8;
	vm8 =	vlt.u32 v5, $0x200;
	v5 =	vshll.u32 v5, $0x6;
	v8 =	vld [tilespmem:$0x150]  }
0x4b: {  	[tilespmem:$0x3A0] =	vst v4;
	v4 =	vnsel vm8, $0x0, v5;
	v5 =	vsub.s32 v9, v0;
	v9 =	vld [tilespmem:$0x240]  }
0x4c: {  	[tilespmem:$0x320] =	vst v4;
	v4 =	vnsel vm8, $0x0, v10;
	vm8 =	vlt.u32 v5, $0x200;
	v5 =	vshll.u32 v5, $0x6;
	v10 =	vld [tilespmem:$0x160]  }
0x4d: {  	[tilespmem:$0x3B0] =	vst v4;
	v4 =	vnsel vm8, $0x0, v5;
	v5 =	vsub.s32 v6, v0;
	v6 =	vld [tilespmem:$0x250]  }
0x4e: {  	[tilespmem:$0x330] =	vst v4;
	v4 =	vnsel vm8, $0x0, v7;
	vm8 =	vlt.u32 v5, $0x200;
	v5 =	vshll.u32 v5, $0x6;
	v7 =	vld [tilespmem:$0x170]  }
0x4f: {  	[tilespmem:$0x3C0] =	vst v4;
	v4 =	vnsel vm8, $0x0, v5;
	v5 =	vsub.s32 v8, v0;
	v8 =	vld [tilespmem:$0x260]  }
0x50: {  	[tilespmem:$0x340] =	vst v4;
	v4 =	vnsel vm8, $0x0, v9;
	vm8 =	vlt.u32 v5, $0x200;
	v5 =	vshll.u32 v5, $0x6  }
0x51: {  	v9 =	vld [tilespmem:$0x270];
	[tilespmem:$0x3D0] =	vst v4;
	v4 =	vnsel vm8, $0x0, v5;
	v5 =	vsub.s32 v10, v0  }
0x52: {  	[tilespmem:$0x350] =	vst v4;
	v4 =	vnsel vm8, $0x0, v6;
	vm8 =	vlt.u32 v5, $0x200;
	v5 =	vshll.u32 v5, $0x6  }
0x53: {  	s10 =	sshll.u32 s9, $0x8;
	[tilespmem:$0x3E0] =	vst v4;
	v4 =	vnsel vm8, $0x0, v5;
	v5 =	vsub.s32 v7, v0  }
0x54: {  	s11 =	sadd.s32 s10, s16;
	[tilespmem:$0x360] =	vst v4;
	v4 =	vnsel vm8, $0x0, v8;
	vm8 =	vlt.u32 v5, $0x200;
	v5 =	vshll.u32 v5, $0x6  }
0x55: {  	s11 =	smin.u32 s11, $0x7FDA8;
	[tilespmem:$0x3F0] =	vst v4;
	v4 =	vnsel vm8, $0x0, v5  }
0x56: {  	s11 =	sshrl.u32 s11, $0x3;
	[tilespmem:$0x370] =	vst v4;
	v4 =	vnsel vm8, $0x0, v9  }
0x57: {  	s12 =	sadd.s32 s4, s11;
	[tilespmem:$0x400] =	vst v4  }
0x58: {  	[tilespmem:s8], [sflag:$0x1] =	stream.linear.gather [hbm4b:s12+s8], $0x80, $0x38;
	[tilespmem:$0xA420] =	vst v63  }
0x59: {  	s14 =	sadd.s32 s2, s11  }
0x5a: {  	[tilespmem:s20], [sflag:$0x1] =	stream.linear.gather [hbm4b:s14+s8], $0x80, $0x38;
	[tilespmem:$0xA420] =	vst v63  }
0x5b: {  	s13 =	simm.s32 $0x0;
	s11 =	sadd.s32 s0, s11  }
0x5c: {  	[tilespmem:s21], [sflag:$0x1] =	stream.linear.gather [hbm4b:s11+s8], $0x80, $0x38;
	[tilespmem:$0xA420] =	vst v63  }
0x5d: {  	v4 =	vld.msk [tilespmem:s13+$0x300 ss:$0x0], $0xffff  }
0x5e: {  	s14 =	simm.s32 $0x430  }
0x5f: {  	v7 =	vld [tilespmem:s14+$0xFFFFFFF0]  }
0x60: {  	v6 =	vld.msk [tilespmem:s13+$0x390 ss:$0x0], $0xffff;
	_ =	sdelay $0x1  }
0x61: {  	v5 =	vadd.s32 v2, v4  }
0x62: {  	s13 =	simm.s32 $0x1;
	v4 =	vadd.s32 v3, v4  }
0x63: {  	s11 =	simm.s32 $0x450;
	v8 =	vld.msk [tilespmem:s13+$0x300 ss:$0x0], $0xffff;
	v9 =	vshll.u32 v7, $0x10  }
0x64: {  	v14 =	vld [tilespmem:s11+$0xFFFFFFF0];
	v7 =	vand.u32 $0xFFFF0000, v7;
	v9 =	vmul.f32 v9, v6  }
0x65: {  	v10 =	vld.msk [tilespmem:s13+$0x390 ss:$0x0], $0xffff;
	v7 =	vmul.f32 v7, v6  }
0x66: {  	[tilespmem:v5+s31+$0x0] =	vst.idx.add.f32.msk $0xffff, v9  }
0x67: {  	[tilespmem:v4+s31+$0x0] =	vst.idx.add.f32.msk $0xffff, v7  }
0x68: {  	v7 =	vadd.s32 v2, v8;
	v11 =	vld [tilespmem:s14+$0x0]  }
0x69: {  	s12 =	simm.s32 $0x470;
	v8 =	vadd.s32 v3, v8  }
0x6a: {  	v12 =	vld [tilespmem:s12+$0xFFFFFFF0];
	v9 =	vshll.u32 v14, $0x10;
	s14 =	simm.s32 $0x2  }
0x6b: {  	v15 =	vand.u32 $0xFFFF0000, v14;
	v14 =	vmul.f32 v9, v10;
	v13 =	vld.msk [tilespmem:s14+$0x300 ss:$0x0], $0xffff  }
0x6c: {  	s13 =	simm.s32 $0xC;
	v15 =	vmul.f32 v15, v10;
	v9 =	vld.msk [tilespmem:s14+$0x390 ss:$0x0], $0xffff  }
.LBB2_5:
0x6d: {  	p0 =	sne.s32 s13, $0x1FC;
	[tilespmem:v7+s31+$0x0] =	vst.idx.add.f32.msk $0xffff, v14;
	v14 =	vshll.u32 v11, $0x10  }
0x6e: {  	[tilespmem:v8+s31+$0x0] =	vst.idx.add.f32.msk $0xffff, v15;
	v15 =	vand.u32 $0xFFFF0000, v11;
	v14 =	vmul.f32 v14, v6  }
0x6f: {  	v11 =	vld [tilespmem:s11+$0x0];
	v15 =	vmul.f32 v15, v6;
	v6 =	vmov v10;
	s11 =	smov.u32 s12  }
.Ltmp1:
0x70: {  	[tilespmem:v5+s3+$0x0] =	vst.idx.add.f32.msk $0xffff, v14;
	v5 =	vmov v7;
	v7 =	vadd.s32 v2, v13;
	(pc) =	sbr.rel @p0 .LBB2_5-.Ltmp1, $4  }
0x71: {  	s14 =	sshra.s32 s13, $0x2;
	[tilespmem:v4+s3+$0x0] =	vst.idx.add.f32.msk $0xffff, v15;
	v4 =	vmov v8;
	v8 =	vadd.s32 v3, v13  }
0x72: {  	s12 =	sadd.s32 $0x20, s12;
	v14 =	vshll.u32 v12, $0x10;
	v10 =	vmov v9;
	v13 =	vld.msk [tilespmem:s14+$0x300 ss:$0x0], $0xffff  }
0x73: {  	v15 =	vand.u32 $0xFFFF0000, v12;
	v14 =	vmul.f32 v14, v10;
	v12 =	vld [tilespmem:s12+$0xFFFFFFF0]  }
0x74: {  	s13 =	sadd.s32 $0x4, s13;
	v15 =	vmul.f32 v15, v10;
	v9 =	vld.msk [tilespmem:s14+$0x390 ss:$0x0], $0xffff  }
0x75: {  	_ =	sdelay $0x1  }
0x76: {  	v16 =	vadd.s32 v2, v13  }
0x77: {  	v13 =	vadd.s32 v3, v13  }
0x78: {  	[tilespmem:v7+s31+$0x0] =	vst.idx.add.f32.msk $0xffff, v14;
	v14 =	vshll.u32 v12, $0x10  }
0x79: {  	[tilespmem:v8+s31+$0x0] =	vst.idx.add.f32.msk $0xffff, v15;
	v12 =	vand.u32 $0xFFFF0000, v12;
	v14 =	vmul.f32 v14, v9  }
0x7a: {  	v15 =	vld [tilespmem:s11+$0x0];
	v12 =	vmul.f32 v12, v9  }
0x7b: {  	[tilespmem:v16+s31+$0x0] =	vst.idx.add.f32.msk $0xffff, v14  }
0x7c: {  	[tilespmem:v13+s31+$0x0] =	vst.idx.add.f32.msk $0xffff, v12  }
0x7d: {  	v12 =	vld [tilespmem:s12+$0x0]  }
0x7e: {  	v14 =	vshll.u32 v11, $0x10  }
0x7f: {  	v11 =	vand.u32 $0xFFFF0000, v11;
	v14 =	vmul.f32 v14, v6  }
0x80: {  	v6 =	vmul.f32 v11, v6;
	v11 =	vshll.u32 v15, $0x10  }
0x81: {  	v11 =	vmul.f32 v11, v10;
	[tilespmem:v5+s3+$0x0] =	vst.idx.add.f32.msk $0xffff, v14;
	v5 =	vand.u32 $0xFFFF0000, v15  }
0x82: {  	[tilespmem:v4+s3+$0x0] =	vst.idx.add.f32.msk $0xffff, v6;
	v4 =	vmul.f32 v5, v10;
	v5 =	vshll.u32 v12, $0x10  }
0x83: {  	[tilespmem:v7+s3+$0x0] =	vst.idx.add.f32.msk $0xffff, v11;
	v6 =	vand.u32 $0xFFFF0000, v12;
	v5 =	vmul.f32 v5, v9  }
0x84: {  	[tilespmem:v8+s3+$0x0] =	vst.idx.add.f32.msk $0xffff, v4;
	v4 =	vmul.f32 v6, v9  }
0x85: {  	[tilespmem:v16+s3+$0x0] =	vst.idx.add.f32.msk $0xffff, v5  }
0x86: {  	[tilespmem:v13+s3+$0x0] =	vst.idx.add.f32.msk $0xffff, v4  }
0x87: {  	_ =	swait.ge [sflag:s25], $0x80  }
0x88: {  	[sflag:s25] =	ssyncset.done $0x0  }
0x89: {  	[sflag:s25] =	ssyncadd.s32 $0xFFFFFF80  }
0x8a: {  	_ =	swait.ge [sflag:s25], $0x80  }
0x8b: {  	[sflag:s25] =	ssyncset.done $0x0  }
0x8c: {  	[sflag:s25] =	ssyncadd.s32 $0xFFFFFF80  }
0x8d: {  	_ =	swait.ge [sflag:s25], $0x80  }
0x8e: {  	[sflag:s25] =	ssyncset.done $0x0  }
0x8f: {  	s11 =	simm.s32 $0x0;
	[sflag:s25] =	ssyncadd.s32 $0xFFFFFF80  }
0x90: {  	[tilespmem:s26], [sflag:$0x3] =	stream.indirect.gather [hbm4b:s6+s22], $0x20, s11, s22, $0xb8;
	[tilespmem:$0xA420] =	vst v63  }
0x91: {  	_ =	swait.ge [sflag:s1], $0x1000  }
0x92: {  	[sflag:s1] =	ssyncset.done $0x0  }
0x93: {  	[sflag:s1] =	ssyncadd.s32 $0xFFFFF000  }
0x94: {  	v4 =	vld [tilespmem:$0x180];
	_ =	sdelay $0x1  }
0x95: {  	v5 =	vld [tilespmem:$0x190]  }
0x96: {  	v6 =	vld [tilespmem:$0x280]  }
0x97: {  	v7 =	vld [tilespmem:$0x1A0]  }
0x98: {  	v8 =	vld [tilespmem:$0x290];
	v4 =	vsub.s32 v4, v0  }
0x99: {  	v9 =	vld [tilespmem:$0x1B0];
	vm8 =	vlt.u32 v4, $0x200;
	v4 =	vshll.u32 v4, $0x6  }
0x9a: {  	v10 =	vld [tilespmem:$0x2A0];
	v5 =	vsub.s32 v5, v0;
	v4 =	vnsel vm8, $0x0, v4  }
0x9b: {  	[tilespmem:$0x300] =	vst v4;
	v4 =	vnsel vm8, $0x0, v6;
	vm8 =	vlt.u32 v5, $0x200;
	v5 =	vshll.u32 v5, $0x6;
	v6 =	vld [tilespmem:$0x1C0]  }
0x9c: {  	[tilespmem:$0x390] =	vst v4;
	v4 =	vnsel vm8, $0x0, v5;
	v5 =	vsub.s32 v7, v0;
	v7 =	vld [tilespmem:$0x2B0]  }
0x9d: {  	[tilespmem:$0x310] =	vst v4;
	v4 =	vnsel vm8, $0x0, v8;
	vm8 =	vlt.u32 v5, $0x200;
	v5 =	vshll.u32 v5, $0x6;
	v8 =	vld [tilespmem:$0x1D0]  }
0x9e: {  	[tilespmem:$0x3A0] =	vst v4;
	v4 =	vnsel vm8, $0x0, v5;
	v5 =	vsub.s32 v9, v0;
	v9 =	vld [tilespmem:$0x2C0]  }
0x9f: {  	[tilespmem:$0x320] =	vst v4;
	v4 =	vnsel vm8, $0x0, v10;
	vm8 =	vlt.u32 v5, $0x200;
	v5 =	vshll.u32 v5, $0x6;
	v10 =	vld [tilespmem:$0x1E0]  }
0xa0: {  	[tilespmem:$0x3B0] =	vst v4;
	v4 =	vnsel vm8, $0x0, v5;
	v5 =	vsub.s32 v6, v0;
	v6 =	vld [tilespmem:$0x2D0]  }
0xa1: {  	[tilespmem:$0x330] =	vst v4;
	v4 =	vnsel vm8, $0x0, v7;
	vm8 =	vlt.u32 v5, $0x200;
	v5 =	vshll.u32 v5, $0x6;
	v7 =	vld [tilespmem:$0x1F0]  }
0xa2: {  	[tilespmem:$0x3C0] =	vst v4;
	v4 =	vnsel vm8, $0x0, v5;
	v5 =	vsub.s32 v8, v0;
	v8 =	vld [tilespmem:$0x2E0]  }
0xa3: {  	[tilespmem:$0x340] =	vst v4;
	v4 =	vnsel vm8, $0x0, v9;
	vm8 =	vlt.u32 v5, $0x200;
	v5 =	vshll.u32 v5, $0x6  }
0xa4: {  	v9 =	vld [tilespmem:$0x2F0];
	[tilespmem:$0x3D0] =	vst v4;
	v4 =	vnsel vm8, $0x0, v5;
	v5 =	vsub.s32 v10, v0  }
0xa5: {  	[tilespmem:$0x350] =	vst v4;
	v4 =	vnsel vm8, $0x0, v6;
	vm8 =	vlt.u32 v5, $0x200;
	v5 =	vshll.u32 v5, $0x6  }
0xa6: {  	[tilespmem:$0x3E0] =	vst v4;
	v4 =	vnsel vm8, $0x0, v5;
	v5 =	vsub.s32 v7, v0  }
0xa7: {  	s10 =	sadd.s32 s10, s17;
	[tilespmem:$0x360] =	vst v4;
	v4 =	vnsel vm8, $0x0, v8;
	vm8 =	vlt.u32 v5, $0x200;
	v5 =	vshll.u32 v5, $0x6  }
0xa8: {  	s10 =	smin.u32 s10, $0x7FDA8;
	[tilespmem:$0x3F0] =	vst v4;
	v4 =	vnsel vm8, $0x0, v5  }
0xa9: {  	s10 =	sshrl.u32 s10, $0x3;
	[tilespmem:$0x370] =	vst v4;
	v4 =	vnsel vm8, $0x0, v9  }
0xaa: {  	s13 =	sadd.s32 s4, s10;
	[tilespmem:$0x400] =	vst v4  }
0xab: {  	[tilespmem:s22], [sflag:$0x2] =	stream.linear.gather [hbm4b:s13+s11], $0x80, $0x38;
	[tilespmem:$0xA420] =	vst v63  }
0xac: {  	s14 =	sadd.s32 s2, s10  }
0xad: {  	[tilespmem:s23], [sflag:$0x2] =	stream.linear.gather [hbm4b:s14+s11], $0x80, $0x38;
	[tilespmem:$0xA420] =	vst v63  }
0xae: {  	s10 =	sadd.s32 s0, s10;
	s13 =	simm.s32 $0x0  }
0xaf: {  	[tilespmem:s24], [sflag:$0x2] =	stream.linear.gather [hbm4b:s10+s11], $0x80, $0x38;
	[tilespmem:$0xA420] =	vst v63  }
0xb0: {  	v4 =	vld.msk [tilespmem:s13+$0x300 ss:$0x0], $0xffff  }
0xb1: {  	s14 =	simm.s32 $0x1430  }
0xb2: {  	v7 =	vld [tilespmem:s14+$0xFFFFFFF0]  }
0xb3: {  	v6 =	vld.msk [tilespmem:s13+$0x390 ss:$0x0], $0xffff;
	_ =	sdelay $0x1  }
0xb4: {  	v5 =	vadd.s32 v2, v4  }
0xb5: {  	s13 =	simm.s32 $0x1;
	v4 =	vadd.s32 v3, v4  }
0xb6: {  	s10 =	simm.s32 $0x1450;
	v8 =	vld.msk [tilespmem:s13+$0x300 ss:$0x0], $0xffff;
	v9 =	vshll.u32 v7, $0x10  }
0xb7: {  	v14 =	vld [tilespmem:s10+$0xFFFFFFF0];
	v7 =	vand.u32 $0xFFFF0000, v7;
	v9 =	vmul.f32 v9, v6  }
0xb8: {  	v10 =	vld.msk [tilespmem:s13+$0x390 ss:$0x0], $0xffff;
	v7 =	vmul.f32 v7, v6  }
0xb9: {  	[tilespmem:v5+s31+$0x0] =	vst.idx.add.f32.msk $0xffff, v9  }
0xba: {  	[tilespmem:v4+s31+$0x0] =	vst.idx.add.f32.msk $0xffff, v7  }
0xbb: {  	v7 =	vadd.s32 v2, v8;
	v11 =	vld [tilespmem:s14+$0x0]  }
0xbc: {  	s11 =	simm.s32 $0x1470;
	v8 =	vadd.s32 v3, v8  }
0xbd: {  	v12 =	vld [tilespmem:s11+$0xFFFFFFF0];
	v9 =	vshll.u32 v14, $0x10;
	s14 =	simm.s32 $0x2  }
0xbe: {  	v15 =	vand.u32 $0xFFFF0000, v14;
	v14 =	vmul.f32 v9, v10;
	v13 =	vld.msk [tilespmem:s14+$0x300 ss:$0x0], $0xffff  }
0xbf: {  	s12 =	simm.s32 $0xC;
	v15 =	vmul.f32 v15, v10;
	v9 =	vld.msk [tilespmem:s14+$0x390 ss:$0x0], $0xffff  }
.LBB2_7:
0xc0: {  	p0 =	sne.s32 s12, $0x1FC;
	[tilespmem:v7+s31+$0x0] =	vst.idx.add.f32.msk $0xffff, v14;
	v14 =	vshll.u32 v11, $0x10  }
0xc1: {  	[tilespmem:v8+s31+$0x0] =	vst.idx.add.f32.msk $0xffff, v15;
	v15 =	vand.u32 $0xFFFF0000, v11;
	v14 =	vmul.f32 v14, v6  }
0xc2: {  	v11 =	vld [tilespmem:s10+$0x0];
	v15 =	vmul.f32 v15, v6;
	v6 =	vmov v10;
	s10 =	smov.u32 s11  }
.Ltmp2:
0xc3: {  	[tilespmem:v5+s3+$0x0] =	vst.idx.add.f32.msk $0xffff, v14;
	v5 =	vmov v7;
	v7 =	vadd.s32 v2, v13;
	(pc) =	sbr.rel @p0 .LBB2_7-.Ltmp2, $4  }
0xc4: {  	s13 =	sshra.s32 s12, $0x2;
	[tilespmem:v4+s3+$0x0] =	vst.idx.add.f32.msk $0xffff, v15;
	v4 =	vmov v8;
	v8 =	vadd.s32 v3, v13  }
0xc5: {  	s11 =	sadd.s32 $0x20, s11;
	v14 =	vshll.u32 v12, $0x10;
	v10 =	vmov v9;
	v13 =	vld.msk [tilespmem:s13+$0x300 ss:$0x0], $0xffff  }
0xc6: {  	v15 =	vand.u32 $0xFFFF0000, v12;
	v14 =	vmul.f32 v14, v10;
	v12 =	vld [tilespmem:s11+$0xFFFFFFF0]  }
0xc7: {  	s12 =	sadd.s32 $0x4, s12;
	v15 =	vmul.f32 v15, v10;
	v9 =	vld.msk [tilespmem:s13+$0x390 ss:$0x0], $0xffff  }
0xc8: {  	_ =	sdelay $0x1  }
0xc9: {  	v16 =	vadd.s32 v2, v13  }
0xca: {  	v56 =	vadd.s32 v3, v13  }
0xcb: {  	[tilespmem:v7+s31+$0x0] =	vst.idx.add.f32.msk $0xffff, v14;
	v57 =	vshll.u32 v12, $0x10  }
0xcc: {  	[tilespmem:v8+s31+$0x0] =	vst.idx.add.f32.msk $0xffff, v15;
	v58 =	vand.u32 $0xFFFF0000, v12;
	v14 =	vmul.f32 v57, v9  }
0xcd: {  	v15 =	vld [tilespmem:s10+$0x0];
	v12 =	vmul.f32 v58, v9  }
0xce: {  	[tilespmem:v16+s31+$0x0] =	vst.idx.add.f32.msk $0xffff, v14  }
0xcf: {  	[tilespmem:v56+s31+$0x0] =	vst.idx.add.f32.msk $0xffff, v12  }
0xd0: {  	v12 =	vld [tilespmem:s11+$0x0]  }
0xd1: {  	v59 =	vshll.u32 v11, $0x10  }
0xd2: {  	v60 =	vand.u32 $0xFFFF0000, v11;
	v14 =	vmul.f32 v59, v6  }
0xd3: {  	s9 =	sadd.s32 $0x1, s9;
	v61 =	vmul.f32 v60, v6;
	v62 =	vshll.u32 v15, $0x10  }
0xd4: {  	p0 =	sne.s32 s9, $0x42;
	v11 =	vmul.f32 v62, v10;
	[tilespmem:v5+s3+$0x0] =	vst.idx.add.f32.msk $0xffff, v14;
	v5 =	vand.u32 $0xFFFF0000, v15  }
.Ltmp3:
0xd5: {  	[tilespmem:v4+s3+$0x0] =	vst.idx.add.f32.msk $0xffff, v61;
	v4 =	vmul.f32 v5, v10;
	v5 =	vshll.u32 v12, $0x10;
	(pc) =	sbr.rel @p0 .LBB2_4-.Ltmp3, $4  }
0xd6: {  	[tilespmem:v7+s3+$0x0] =	vst.idx.add.f32.msk $0xffff, v11;
	v63 =	vand.u32 $0xFFFF0000, v12;
	v5 =	vmul.f32 v5, v9  }
0xd7: {  	[tilespmem:v8+s3+$0x0] =	vst.idx.add.f32.msk $0xffff, v4;
	v4 =	vmul.f32 v63, v9  }
0xd8: {  	[tilespmem:v16+s3+$0x0] =	vst.idx.add.f32.msk $0xffff, v5  }
0xd9: {  	[tilespmem:v56+s3+$0x0] =	vst.idx.add.f32.msk $0xffff, v4  }
0xda: {  	_ =	swait.ge [sflag:s30], $0x1000  }
0xdb: {  	[sflag:s30] =	ssyncset.done $0x0  }
0xdc: {  	[sflag:s30] =	ssyncadd.s32 $0xFFFFF000  }
0xdd: {  	_ =	swait.ge [sflag:s28], $0x80  }
0xde: {  	[sflag:s28] =	ssyncset.done $0x0  }
0xdf: {  	[sflag:s28] =	ssyncadd.s32 $0xFFFFFF80  }
0xe0: {  	_ =	swait.ge [sflag:s28], $0x80  }
0xe1: {  	[sflag:s28] =	ssyncset.done $0x0  }
0xe2: {  	[sflag:s28] =	ssyncadd.s32 $0xFFFFFF80  }
0xe3: {  	_ =	swait.ge [sflag:s28], $0x80  }
0xe4: {  	[sflag:s28] =	ssyncset.done $0x0  }
0xe5: {  	s8 =	simm.s32 $0x0;
	s9 =	rddreg [dreg:$0x8];
	[sflag:s28] =	ssyncadd.s32 $0xFFFFFF80  }
0xe6: {  	[tilespmem:s8], [sflag:$0x5] =	stream.linear.gather [hbm4b:s9+s8], $0x80, $0x38;
	[tilespmem:$0xA420] =	vst v63  }
0xe7: {  	_ =	swait.ge [sflag:s5], $0x80  }
0xe8: {  	[sflag:s5] =	ssyncset.done $0x0  }
0xe9: {  	s10 =	rddreg [dreg:$0x7];
	[sflag:s5] =	ssyncadd.s32 $0xFFFFFF80  }
0xea: {  	[tilespmem:s20], [sflag:$0x5] =	stream.linear.gather [hbm4b:s10+s8], $0x80, $0x38;
	[tilespmem:$0xA420] =	vst v63  }
0xeb: {  	_ =	swait.ge [sflag:s5], $0x80  }
0xec: {  	[sflag:s5] =	ssyncset.done $0x0  }
0xed: {  	s11 =	rddreg [dreg:$0x6];
	[sflag:s5] =	ssyncadd.s32 $0xFFFFFF80  }
0xee: {  	[tilespmem:s21], [sflag:$0x5] =	stream.linear.gather [hbm4b:s11+s8], $0x80, $0x38;
	[tilespmem:$0xA420] =	vst v63  }
0xef: {  	_ =	swait.ge [sflag:s5], $0x80  }
0xf0: {  	[sflag:s5] =	ssyncset.done $0x0  }
0xf1: {  	[sflag:s5] =	ssyncadd.s32 $0xFFFFFF80  }
0xf2: {  	[tilespmem:s26], [sflag:$0x3] =	stream.indirect.gather [hbm4b:s6+s22], $0x20, s8, s22, $0xb8;
	[tilespmem:$0xA420] =	vst v63  }
0xf3: {  	_ =	swait.ge [sflag:s30], $0x1000  }
0xf4: {  	[sflag:s30] =	ssyncset.done $0x0  }
0xf5: {  	[sflag:s30] =	ssyncadd.s32 $0xFFFFF000  }
0xf6: {  	v4 =	vld [tilespmem:$0x100];
	_ =	sdelay $0x1  }
0xf7: {  	v5 =	vld [tilespmem:$0x110]  }
0xf8: {  	v6 =	vld [tilespmem:$0x200]  }
0xf9: {  	v7 =	vld [tilespmem:$0x120]  }
0xfa: {  	v8 =	vld [tilespmem:$0x210];
	v4 =	vsub.s32 v4, v0  }
0xfb: {  	v9 =	vld [tilespmem:$0x130];
	vm8 =	vlt.u32 v4, $0x200  }
0xfc: {  	v10 =	vld [tilespmem:$0x220];
	v5 =	vsub.s32 v5, v0;
	v4 =	vshll.u32 v4, $0x6;
	vm8 =	vmand vm7, vm8  }
0xfd: {  	v11 =	vld [tilespmem:$0x140];
	v4 =	vnsel vm8, $0x0, v4;
	v6 =	vnsel vm8, $0x0, v6;
	vm8 =	vlt.u32 v5, $0x200  }
0xfe: {  	[tilespmem:$0x300] =	vst v4;
	vm8 =	vmand vm6, vm8;
	v4 =	vshll.u32 v5, $0x6;
	v5 =	vsub.s32 v7, v0;
	v7 =	vld [tilespmem:$0x230]  }
0xff: {  	[tilespmem:$0x390] =	vst v6;
	v4 =	vnsel vm8, $0x0, v4;
	v6 =	vnsel vm8, $0x0, v8;
	vm8 =	vlt.u32 v5, $0x200;
	v8 =	vld [tilespmem:$0x150]  }
0x100: {  	[tilespmem:$0x310] =	vst v4;
	vm8 =	vmand vm5, vm8;
	v4 =	vshll.u32 v5, $0x6;
	v5 =	vsub.s32 v9, v0;
	v9 =	vld [tilespmem:$0x240]  }
0x101: {  	[tilespmem:$0x3A0] =	vst v6;
	v4 =	vnsel vm8, $0x0, v4;
	v6 =	vnsel vm8, $0x0, v10;
	vm8 =	vlt.u32 v5, $0x200;
	v10 =	vld [tilespmem:$0x160]  }
0x102: {  	[tilespmem:$0x320] =	vst v4;
	vm8 =	vmand vm4, vm8;
	v4 =	vshll.u32 v5, $0x6;
	v5 =	vsub.s32 v11, v0;
	v11 =	vld [tilespmem:$0x250]  }
0x103: {  	[tilespmem:$0x3B0] =	vst v6;
	v4 =	vnsel vm8, $0x0, v4;
	v6 =	vnsel vm8, $0x0, v7;
	vm8 =	vlt.u32 v5, $0x200;
	v7 =	vld [tilespmem:$0x170]  }
0x104: {  	[tilespmem:$0x330] =	vst v4;
	vm8 =	vmand vm3, vm8;
	v4 =	vshll.u32 v5, $0x6;
	v5 =	vsub.s32 v8, v0  }
0x105: {  	[tilespmem:$0x3C0] =	vst v6;
	v8 =	vld [tilespmem:$0x260];
	v4 =	vnsel vm8, $0x0, v4;
	v6 =	vnsel vm8, $0x0, v9;
	vm8 =	vlt.u32 v5, $0x200  }
0x106: {  	[tilespmem:$0x340] =	vst v4;
	vm8 =	vmand vm2, vm8;
	v4 =	vshll.u32 v5, $0x6;
	v5 =	vsub.s32 v10, v0  }
0x107: {  	v9 =	vld [tilespmem:$0x270];
	[tilespmem:$0x3D0] =	vst v6;
	v4 =	vnsel vm8, $0x0, v4;
	v6 =	vnsel vm8, $0x0, v11;
	vm8 =	vlt.u32 v5, $0x200  }
0x108: {  	[tilespmem:$0x350] =	vst v4;
	vm8 =	vmand vm1, vm8;
	v4 =	vshll.u32 v5, $0x6;
	v5 =	vsub.s32 v7, v0  }
0x109: {  	[tilespmem:$0x3E0] =	vst v6;
	v4 =	vnsel vm8, $0x0, v4;
	vm9 =	vlt.u32 v5, $0x200  }
0x10a: {  	v6 =	vnsel vm8, $0x0, v8;
	[tilespmem:$0x360] =	vst v4;
	vm8 =	vmand vm0, vm9;
	v4 =	vshll.u32 v5, $0x6  }
0x10b: {  	[tilespmem:$0x3F0] =	vst v6;
	v4 =	vnsel vm8, $0x0, v4  }
0x10c: {  	[tilespmem:$0x370] =	vst v4;
	v4 =	vnsel vm8, $0x0, v9  }
0x10d: {  	s12 =	simm.s32 $0x0;
	[tilespmem:$0x400] =	vst v4  }
0x10e: {  	v4 =	vld.msk [tilespmem:s12+$0x300 ss:$0x0], $0xffff  }
0x10f: {  	s13 =	simm.s32 $0x430  }
0x110: {  	v7 =	vld [tilespmem:s13+$0xFFFFFFF0]  }
0x111: {  	v6 =	vld.msk [tilespmem:s12+$0x390 ss:$0x0], $0xffff;
	_ =	sdelay $0x1  }
0x112: {  	v5 =	vadd.s32 v2, v4  }
0x113: {  	s10 =	simm.s32 $0x1;
	v4 =	vadd.s32 v3, v4  }
0x114: {  	s8 =	simm.s32 $0x450;
	v8 =	vld.msk [tilespmem:s10+$0x300 ss:$0x0], $0xffff;
	v9 =	vshll.u32 v7, $0x10  }
0x115: {  	v14 =	vld [tilespmem:s8+$0xFFFFFFF0];
	v7 =	vand.u32 $0xFFFF0000, v7;
	v9 =	vmul.f32 v9, v6  }
0x116: {  	v10 =	vld.msk [tilespmem:s10+$0x390 ss:$0x0], $0xffff;
	v7 =	vmul.f32 v7, v6  }
0x117: {  	[tilespmem:v5+s31+$0x0] =	vst.idx.add.f32.msk $0xffff, v9  }
0x118: {  	[tilespmem:v4+s31+$0x0] =	vst.idx.add.f32.msk $0xffff, v7  }
0x119: {  	v7 =	vadd.s32 v2, v8;
	v11 =	vld [tilespmem:s13+$0x0]  }
0x11a: {  	s14 =	simm.s32 $0x2;
	v8 =	vadd.s32 v3, v8  }
0x11b: {  	s9 =	simm.s32 $0x470;
	v13 =	vld.msk [tilespmem:s14+$0x300 ss:$0x0], $0xffff;
	v9 =	vshll.u32 v14, $0x10  }
0x11c: {  	v12 =	vld [tilespmem:s9+$0xFFFFFFF0];
	v15 =	vand.u32 $0xFFFF0000, v14;
	v14 =	vmul.f32 v9, v10  }
0x11d: {  	s10 =	simm.s32 $0xC;
	v15 =	vmul.f32 v15, v10;
	v9 =	vld.msk [tilespmem:s14+$0x390 ss:$0x0], $0xffff  }
.LBB2_10:
0x11e: {  	p0 =	sne.s32 s10, $0x1FC;
	[tilespmem:v7+s31+$0x0] =	vst.idx.add.f32.msk $0xffff, v14;
	v14 =	vshll.u32 v11, $0x10  }
0x11f: {  	[tilespmem:v8+s31+$0x0] =	vst.idx.add.f32.msk $0xffff, v15;
	v15 =	vand.u32 $0xFFFF0000, v11;
	v14 =	vmul.f32 v14, v6  }
0x120: {  	v11 =	vld [tilespmem:s8+$0x0];
	v15 =	vmul.f32 v15, v6;
	v6 =	vmov v10;
	s8 =	smov.u32 s9  }
.Ltmp4:
0x121: {  	[tilespmem:v5+s3+$0x0] =	vst.idx.add.f32.msk $0xffff, v14;
	v5 =	vmov v7;
	v7 =	vadd.s32 v2, v13;
	(pc) =	sbr.rel @p0 .LBB2_10-.Ltmp4, $4  }
0x122: {  	s11 =	sshra.s32 s10, $0x2;
	[tilespmem:v4+s3+$0x0] =	vst.idx.add.f32.msk $0xffff, v15;
	v4 =	vmov v8;
	v8 =	vadd.s32 v3, v13  }
0x123: {  	s9 =	sadd.s32 $0x20, s9;
	v14 =	vshll.u32 v12, $0x10;
	v10 =	vmov v9;
	v13 =	vld.msk [tilespmem:s11+$0x300 ss:$0x0], $0xffff  }
0x124: {  	v15 =	vand.u32 $0xFFFF0000, v12;
	v14 =	vmul.f32 v14, v10;
	v12 =	vld [tilespmem:s9+$0xFFFFFFF0]  }
0x125: {  	s10 =	sadd.s32 $0x4, s10;
	v15 =	vmul.f32 v15, v10;
	v9 =	vld.msk [tilespmem:s11+$0x390 ss:$0x0], $0xffff  }
0x126: {  	_ =	sdelay $0x1  }
0x127: {  	v16 =	vadd.s32 v2, v13  }
0x128: {  	v56 =	vadd.s32 v3, v13  }
0x129: {  	[tilespmem:v7+s31+$0x0] =	vst.idx.add.f32.msk $0xffff, v14;
	v57 =	vshll.u32 v12, $0x10  }
0x12a: {  	[tilespmem:v8+s31+$0x0] =	vst.idx.add.f32.msk $0xffff, v15;
	v58 =	vand.u32 $0xFFFF0000, v12;
	v14 =	vmul.f32 v57, v9  }
0x12b: {  	v15 =	vld [tilespmem:s8+$0x0];
	v12 =	vmul.f32 v58, v9  }
0x12c: {  	[tilespmem:v16+s31+$0x0] =	vst.idx.add.f32.msk $0xffff, v14  }
0x12d: {  	[tilespmem:v56+s31+$0x0] =	vst.idx.add.f32.msk $0xffff, v12  }
0x12e: {  	v12 =	vld [tilespmem:s9+$0x0]  }
0x12f: {  	v59 =	vshll.u32 v11, $0x10  }
0x130: {  	v60 =	vand.u32 $0xFFFF0000, v11;
	v14 =	vmul.f32 v59, v6  }
0x131: {  	v61 =	vmul.f32 v60, v6;
	v62 =	vshll.u32 v15, $0x10  }
0x132: {  	v11 =	vmul.f32 v62, v10;
	[tilespmem:v5+s3+$0x0] =	vst.idx.add.f32.msk $0xffff, v14;
	v5 =	vand.u32 $0xFFFF0000, v15  }
0x133: {  	[tilespmem:v4+s3+$0x0] =	vst.idx.add.f32.msk $0xffff, v61;
	v4 =	vmul.f32 v5, v10;
	v5 =	vshll.u32 v12, $0x10  }
0x134: {  	[tilespmem:v7+s3+$0x0] =	vst.idx.add.f32.msk $0xffff, v11;
	v63 =	vand.u32 $0xFFFF0000, v12;
	v5 =	vmul.f32 v5, v9  }
0x135: {  	s7 =	sadd.s32 $0x1, s7;
	[tilespmem:v8+s3+$0x0] =	vst.idx.add.f32.msk $0xffff, v4;
	v4 =	vmul.f32 v63, v9  }
0x136: {  	p0 =	sne.s32 s7, s19;
	[tilespmem:v16+s3+$0x0] =	vst.idx.add.f32.msk $0xffff, v5  }
.Ltmp5:
0x137: {  	s14 =	simm.s32 $0x0;
	[tilespmem:v56+s3+$0x0] =	vst.idx.add.f32.msk $0xffff, v4;
	(pc) =	sbr.rel @p0 .LBB2_1-.Ltmp5, $4  }
0x138: {  	[hbm4b:s18+s14] =	stream.linear.scatter [tilespmem:s31], [sflag:$0x5], $0x8000, $0x38;
	[tilespmem:$0xA420] =	vst v63  }
0x139: {  	_ =	swait.ge [sflag:s5], $0x8000  }
0x13a: {  	[sflag:s5] =	ssyncset.done $0x0  }
0x13b: {  	[sflag:s5] =	ssyncadd.s32 $0xFFFF8000  }
0x13c: {  	_ =	sfence.sel $0x180000  }
0x13d: {  	[bflag:$0x0] =	sbarrier.arrive $0xFFFF  }
0x13e: {  	_ =	strace $0x90000047  }
0x13f: {  	s0 =	stileid.u32;
	[bflag:$0x2] =	sbarrier.arrive $0xFFFF  }
0x140: {  	p0 =	sne.s32 s0, $0x0;
	s0 =	rddreg [dreg:$0x5]  }
0x141: {  	s0 =	sadd.s32 @!p0 $0x100000, s0  }
0x142: {  	[sflag:s0] =	ssyncadd.tile.s32 @!p0 $0x1;
	_ =	shalt  }
.Lfunc_end2:
_tile_overlayer_lowered:
.L_overlay_start_2:
0x143: {  	(tag) =	ssettag $0x2  }
0x144: {  	s0 =	rddreg [dreg:$0x0];
	s2 =	stileid.u32  }
0x145: {  	s1 =	rddreg [dreg:$0x1];
	p0 =	sne.s32 s2, $0x0  }
0x146: {  	s3 =	rddreg [dreg:$0x2];
	[bflag:$0x3] =	sbarrier.arrive $0xFFFF;
	s2 =	simm.s32 @!p0 $0x1C05  }
0x147: {  	[timem:s3], [sflag:s2] =	dma.local @!p0 [hbm:s0], s1  }
0x148: {  	s0 =	simm.s32 @!p0 $0x5  }
0x149: {  	_ =	swait.ge @!p0 [sflag:s0], s1  }
0x14a: {  	s1 =	ssub.s32 @!p0 $0x0, s1;
	[sflag:s0] =	ssyncset.done @!p0 $0x0  }
0x14b: {  	[sflag:s0] =	ssyncadd.s32 @!p0 s1  }
0x14c: {  	[bflag:$0x3] =	sbarrier.arrive $0xFFFF  }
0x14d: {  	_ =	shalt  }

</sc_bundles>
